<compile_context>
chip_gen: v7x
topology: tpu7x:2x2x1
jax: 0.10.2.dev20260603
libtpu: 0.0.44.dev20260713+nightly
codegen_flags: <defaults>
</compile_context>

<pallas_src>
import functools

import jax
import jax.numpy as jnp
from jax import lax
from jax.experimental import pallas as pl
from jax.experimental.pallas import tpu as pltpu
from jax.experimental.pallas import tpu_sc as plsc

_N = 10000
_E = 320000
_D = 128

_NC = 2
_NS = 16
_NW = _NC * _NS

_N_PAD = 10240
_ROWS_PER_TILE = _N_PAD // _NS
_CH = 128
_NCH = 79
_EPT = _CH * _NCH
_E_PAD = _EPT * _NW

_mesh = plsc.VectorSubcoreMesh(
    core_axis_name="c", subcore_axis_name="s", num_cores=_NC, num_subcores=_NS
)
_sc_params = pltpu.CompilerParams(needs_layout_passes=False)


def _deg_body(src_hbm, dst_hbm, odeg_hbm, ideg_hbm, src_v, dst_v, od_v, id_v):
    c = lax.axis_index("c")
    s = lax.axis_index("s")
    wid = c * _NS + s
    base = wid * _EPT
    pltpu.sync_copy(src_hbm.at[pl.ds(base, _EPT)], src_v)
    pltpu.sync_copy(dst_hbm.at[pl.ds(base, _EPT)], dst_v)

    zeros16 = jnp.zeros((16,), jnp.float32)

    def zero_body(i, carry):
        od_v[pl.ds(i * 16, 16)] = zeros16
        id_v[pl.ds(i * 16, 16)] = zeros16
        return carry

    lax.fori_loop(0, _N_PAD // 16, zero_body, 0)

    ones16 = jnp.ones((16,), jnp.float32)

    def hist_body(i, carry):
        si = src_v[pl.ds(i * 16, 16)]
        di = dst_v[pl.ds(i * 16, 16)]
        plsc.addupdate_scatter(od_v, [si], ones16)
        plsc.addupdate_scatter(id_v, [di], ones16)
        return carry

    lax.fori_loop(0, _EPT // 16, hist_body, 0)

    pltpu.sync_copy(od_v, odeg_hbm.at[wid])
    pltpu.sync_copy(id_v, ideg_hbm.at[wid])


_deg_kernel = pl.kernel(
    _deg_body,
    out_type=(
        jax.ShapeDtypeStruct((_NW, _N_PAD), jnp.float32),
        jax.ShapeDtypeStruct((_NW, _N_PAD), jnp.float32),
    ),
    mesh=_mesh,
    compiler_params=_sc_params,
    scratch_types=[
        pltpu.VMEM((_EPT,), jnp.int32),
        pltpu.VMEM((_EPT,), jnp.int32),
        pltpu.VMEM((_N_PAD,), jnp.float32),
        pltpu.VMEM((_N_PAD,), jnp.float32),
    ],
)


def _agg_body(m_hbm, src_hbm, dst_hbm, out_hbm, sidx, didx, rows, zblk, agg_sh):
    c = lax.axis_index("c")
    s = lax.axis_index("s")
    wid = c * _NS + s
    ebase = wid * _EPT

    zeros16 = jnp.zeros((16,), jnp.float32)

    def zero_body(i, carry):
        zblk[i // 8, pl.ds((i % 8) * 16, 16)] = zeros16
        return carry

    lax.fori_loop(0, 128 * 8, zero_body, 0)
    for k in range(_ROWS_PER_TILE // 128):
        pltpu.sync_copy(zblk, agg_sh.at[pl.ds(s * _ROWS_PER_TILE + k * 128, 128)])
    plsc.subcore_barrier()

    def chunk_body(j, carry):
        pltpu.sync_copy(src_hbm.at[pl.ds(ebase + j * _CH, _CH)], sidx.at[0])
        pltpu.sync_copy(dst_hbm.at[pl.ds(ebase + j * _CH, _CH)], didx.at[0])
        pltpu.sync_copy(m_hbm.at[sidx.at[0]], rows)
        pltpu.sync_copy(rows, agg_sh.at[didx.at[0]], add=True)
        return carry

    lax.fori_loop(0, _NCH, chunk_body, 0)
    plsc.subcore_barrier()

    pltpu.sync_copy(
        agg_sh.at[pl.ds(s * _ROWS_PER_TILE, _ROWS_PER_TILE)],
        out_hbm.at[c, pl.ds(s * _ROWS_PER_TILE, _ROWS_PER_TILE)],
    )


_agg_kernel = pl.kernel(
    _agg_body,
    out_type=jax.ShapeDtypeStruct((_NC, _N_PAD, _D), jnp.float32),
    mesh=_mesh,
    compiler_params=_sc_params,
    scratch_types=[
        pltpu.VMEM((1, _CH), jnp.int32),
        pltpu.VMEM((1, _CH), jnp.int32),
        pltpu.VMEM((_CH, _D), jnp.float32),
        pltpu.VMEM((128, _D), jnp.float32),
        pltpu.VMEM_SHARED((_N_PAD, _D), jnp.float32),
    ],
)


_BLK = 512
_GRID = _N_PAD // _BLK


def _norm_body(od_ref, id_ref, x_ref, m1_ref, ns_ref, nd_ref):
    od = jnp.sum(od_ref[...], axis=0)
    idg = jnp.sum(id_ref[...], axis=0)
    ns = lax.rsqrt(jnp.where(od > 0, od, 1.0))
    nd = lax.rsqrt(jnp.where(idg > 0, idg, 1.0))
    ns_ref[...] = ns[:, None]
    nd_ref[...] = nd[:, None]
    m1_ref[...] = x_ref[...] * ns[:, None]


_norm_kernel = pl.pallas_call(
    _norm_body,
    grid=(_GRID,),
    in_specs=[
        pl.BlockSpec((_NW, _BLK), lambda i: (0, i)),
        pl.BlockSpec((_NW, _BLK), lambda i: (0, i)),
        pl.BlockSpec((_BLK, _D), lambda i: (i, 0)),
    ],
    out_specs=[
        pl.BlockSpec((_BLK, _D), lambda i: (i, 0)),
        pl.BlockSpec((_BLK, 1), lambda i: (i, 0)),
        pl.BlockSpec((_BLK, 1), lambda i: (i, 0)),
    ],
    out_shape=[
        jax.ShapeDtypeStruct((_N_PAD, _D), jnp.float32),
        jax.ShapeDtypeStruct((_N_PAD, 1), jnp.float32),
        jax.ShapeDtypeStruct((_N_PAD, 1), jnp.float32),
    ],
)


def _make_layer_kernel(relu, scale_next):
    def body(p0_ref, p1_ref, nd_ref, ns_ref, w_ref, b_ref, out_ref):
        agg = (p0_ref[...] + p1_ref[...]) * nd_ref[...]
        h = jnp.dot(agg, w_ref[...], preferred_element_type=jnp.float32)
        h = h + b_ref[...]
        if relu:
            h = jnp.maximum(h, 0.0)
        if scale_next:
            h = h * ns_ref[...]
        out_ref[...] = h

    return pl.pallas_call(
        body,
        grid=(_GRID,),
        in_specs=[
            pl.BlockSpec((_BLK, _D), lambda i: (i, 0)),
            pl.BlockSpec((_BLK, _D), lambda i: (i, 0)),
            pl.BlockSpec((_BLK, 1), lambda i: (i, 0)),
            pl.BlockSpec((_BLK, 1), lambda i: (i, 0)),
            pl.BlockSpec((_D, _D), lambda i: (0, 0)),
            pl.BlockSpec((1, _D), lambda i: (0, 0)),
        ],
        out_specs=pl.BlockSpec((_BLK, _D), lambda i: (i, 0)),
        out_shape=jax.ShapeDtypeStruct((_N_PAD, _D), jnp.float32),
    )


_layer_mid = _make_layer_kernel(relu=True, scale_next=True)
_layer_last = _make_layer_kernel(relu=False, scale_next=False)


@jax.jit
def kernel(x, edge_index, W1, b1, W2, b2, W3, b3):
    src = edge_index[0].astype(jnp.int32)
    dst = edge_index[1].astype(jnp.int32)
    pad_idx = jnp.full((_E_PAD - _E,), _N_PAD - 1, jnp.int32)
    src_p = jnp.concatenate([src, pad_idx])
    dst_p = jnp.concatenate([dst, pad_idx])

    x_pad = jnp.zeros((_N_PAD, _D), jnp.float32).at[:_N].set(x)

    odeg, ideg = _deg_kernel(src_p, dst_p)
    m1, ns, nd = _norm_kernel(odeg, ideg, x_pad)

    p = _agg_kernel(m1, src_p, dst_p)
    m2 = _layer_mid(p[0], p[1], nd, ns, W1, b1.reshape(1, _D))
    p = _agg_kernel(m2, src_p, dst_p)
    m3 = _layer_mid(p[0], p[1], nd, ns, W2, b2.reshape(1, _D))
    p = _agg_kernel(m3, src_p, dst_p)
    out = _layer_last(p[0], p[1], nd, ns, W3, b3.reshape(1, _D))
    return out[:_N]

# --- scband reference (transcript-rebuilt; emitter-appended) ---
"""Pipeline reference for scband-gcn-54443005444675 (READ-ONLY COPY).

The authoritative reference and input builder live on the scoring server;
editing this copy changes nothing except your own understanding.
"""

import jax, jax.numpy as jnp
import numpy as np

N = 10000
E = 320000
D_IN = 128
D_H = 128
D_OUT = 128


def setup_inputs(seed: int = 0) -> dict:
    key = jax.random.key(seed)
    ks = jax.random.split(key, 9)
    x = jax.random.normal(ks[0], (N, D_IN), dtype=jnp.float32)
    edge_index = jax.random.randint(ks[1], (2, E), 0, N)
    s = 1.0 / np.sqrt(D_IN)
    W1 = jax.random.uniform(ks[2], (D_IN, D_H), minval=-s, maxval=s, dtype=jnp.float32)
    b1 = jnp.zeros((D_H,), dtype=jnp.float32)
    W2 = jax.random.uniform(ks[3], (D_H, D_H), minval=-s, maxval=s, dtype=jnp.float32)
    b2 = jnp.zeros((D_H,), dtype=jnp.float32)
    W3 = jax.random.uniform(ks[4], (D_H, D_OUT), minval=-s, maxval=s, dtype=jnp.float32)
    b3 = jnp.zeros((D_OUT,), dtype=jnp.float32)
    return {"x": x, "edge_index": edge_index, "W1": W1, "b1": b1, "W2": W2, "b2": b2, "W3": W3, "b3": b3}


def reference(x, edge_index, W1, b1, W2, b2, W3, b3):
    src = edge_index[0]
    dst = edge_index[1]
    ones = jnp.ones((E,), dtype=jnp.float32)
    out_deg = jnp.zeros((N,), dtype=jnp.float32).at[src].add(ones)
    in_deg = jnp.zeros((N,), dtype=jnp.float32).at[dst].add(ones)
    norm_src = jnp.where(out_deg > 0, out_deg, 1.0) ** -0.5
    norm_dst = jnp.where(in_deg > 0, in_deg, 1.0) ** -0.5

    def graph_conv(h, W, b, act):
        # DGL GraphConv norm='both': scale src feats by out_deg^-1/2,
        # sum-aggregate over edges, scale dst by in_deg^-1/2, then linear.
        m = h * norm_src[:, None]
        agg = jnp.zeros((N, h.shape[1]), dtype=h.dtype).at[dst].add(m[src])
        agg = agg * norm_dst[:, None]
        out = agg @ W + b
        if act:
            out = jax.nn.relu(out)
        return out

    h = graph_conv(x, W1, b1, True)
    h = graph_conv(h, W2, b2, True)
    h = graph_conv(h, W3, b3, False)
    return h

if __name__ == "__main__":
    import jax
    _d = setup_inputs()
    print(jax.jit(kernel)(*tuple(_d.values())))

</pallas_src>

<mosaic_0001>
#map = affine_map<(d0, d1) -> (0)>
#map1 = affine_map<(d0, d1) -> (0, 0)>
module attributes {stable_mosaic.version = 14 : i64} {
  func.func @_deg_body(%arg0: i32, %arg1: i32, %arg2: memref<323584xi32, #tpu.memory_space<hbm>>, %arg3: memref<323584xi32, #tpu.memory_space<hbm>>, %arg4: memref<32x10240xf32, #tpu.memory_space<hbm>>, %arg5: memref<32x10240xf32, #tpu.memory_space<hbm>>, %arg6: memref<10112xi32, #tpu.memory_space<vmem>>, %arg7: memref<10112xi32, #tpu.memory_space<vmem>>, %arg8: memref<10240xf32, #tpu.memory_space<vmem>>, %arg9: memref<10240xf32, #tpu.memory_space<vmem>>) attributes {dimension_semantics = [#tpu.dimension_semantics<core_parallel>, #tpu.dimension_semantics<subcore_parallel>], iteration_bounds = array<i64: 2, 16>, scalar_prefetch = 0 : i64, scratch_operands = 4 : i64, tpu.core_type = #tpu.core_type<sc_vector_subcore>, window_params = [{transform_indices = #map}, {transform_indices = #map}, {transform_indices = #map1}, {transform_indices = #map1}]} {
    %mul3A = arith.constant 16 : i32
    %mul3A_0 = arith.muli %arg0, %mul3A : i32
    %add3A = arith.addi %mul3A_0, %arg1 : i32
    %mul3A_1 = arith.constant 10112 : i32
    %mul3A_2 = arith.muli %add3A, %mul3A_1 : i32
    "tpu.region"() ({
      %run_scoped3A = tpu.sem_alloc : memref<!tpu.dma_semaphore, #tpu.memory_space<semaphore_mem>>
      %dma_start3A = tpu.memref_slice %arg2[%mul3A_2] : memref<323584xi32, #tpu.memory_space<hbm>> -> memref<10112xi32, #tpu.memory_space<hbm>>
      %dma_start3A_17 = tpu.memref_slice %arg2[%mul3A_2] : memref<323584xi32, #tpu.memory_space<hbm>> -> memref<10112xi32, #tpu.memory_space<hbm>>
      tpu.enqueue_dma source(%dma_start3A_17 : memref<10112xi32, #tpu.memory_space<hbm>>) target(%arg6 : memref<10112xi32, #tpu.memory_space<vmem>>) target_semaphore(%run_scoped3A : memref<!tpu.dma_semaphore, #tpu.memory_space<semaphore_mem>>)
      %dma_wait3A = tpu.memref_slice %arg2[%mul3A_2] : memref<323584xi32, #tpu.memory_space<hbm>> -> memref<10112xi32, #tpu.memory_space<hbm>>
      %dma_wait3A_18 = tpu.memref_slice %arg2[%mul3A_2] : memref<323584xi32, #tpu.memory_space<hbm>> -> memref<10112xi32, #tpu.memory_space<hbm>>
      tpu.wait_dma2 semaphore(%run_scoped3A : memref<!tpu.dma_semaphore, #tpu.memory_space<semaphore_mem>>) src(%dma_wait3A_18 : memref<10112xi32, #tpu.memory_space<hbm>>) dst(%arg6 : memref<10112xi32, #tpu.memory_space<vmem>>)
      tpu.yield
    }) : () -> ()
    "tpu.region"() ({
      %run_scoped3A = tpu.sem_alloc : memref<!tpu.dma_semaphore, #tpu.memory_space<semaphore_mem>>
      %dma_start3A = tpu.memref_slice %arg3[%mul3A_2] : memref<323584xi32, #tpu.memory_space<hbm>> -> memref<10112xi32, #tpu.memory_space<hbm>>
      %dma_start3A_17 = tpu.memref_slice %arg3[%mul3A_2] : memref<323584xi32, #tpu.memory_space<hbm>> -> memref<10112xi32, #tpu.memory_space<hbm>>
      tpu.enqueue_dma source(%dma_start3A_17 : memref<10112xi32, #tpu.memory_space<hbm>>) target(%arg7 : memref<10112xi32, #tpu.memory_space<vmem>>) target_semaphore(%run_scoped3A : memref<!tpu.dma_semaphore, #tpu.memory_space<semaphore_mem>>)
      %dma_wait3A = tpu.memref_slice %arg3[%mul3A_2] : memref<323584xi32, #tpu.memory_space<hbm>> -> memref<10112xi32, #tpu.memory_space<hbm>>
      %dma_wait3A_18 = tpu.memref_slice %arg3[%mul3A_2] : memref<323584xi32, #tpu.memory_space<hbm>> -> memref<10112xi32, #tpu.memory_space<hbm>>
      tpu.wait_dma2 semaphore(%run_scoped3A : memref<!tpu.dma_semaphore, #tpu.memory_space<semaphore_mem>>) src(%dma_wait3A_18 : memref<10112xi32, #tpu.memory_space<hbm>>) dst(%arg7 : memref<10112xi32, #tpu.memory_space<vmem>>)
      tpu.yield
    }) : () -> ()
    %broadcast_in_dim3A = arith.constant 0.000000e+00 : f32
    %broadcast_in_dim3A_3 = vector.broadcast %broadcast_in_dim3A : f32 to vector<16xf32>
    %scan3A = arith.constant 0 : i32
    %scan3A_4 = arith.constant 0 : i32
    %scan3A_5 = arith.constant 640 : i32
    %scan3A_6 = arith.addi %scan3A_4, %scan3A_5 : i32
    %scan3A_7 = arith.constant 1 : i32
    scf.for %scan3A_17 = %scan3A_4 to %scan3A_6 step %scan3A_7  : i32 {
      %mul3A_18 = arith.constant 16 : i32
      %mul3A_19 = arith.muli %scan3A_17, %mul3A_18 : i32
      %swap3A = arith.index_cast %mul3A_19 : i32 to index
      %swap3A_20 = tpu.vector_load %arg8[%swap3A] {strides = array<i32>} : memref<10240xf32, #tpu.memory_space<vmem>>, vector<16xf32>,
      tpu.vector_store %arg8[%swap3A], %broadcast_in_dim3A_3 {strides = array<i32>} : memref<10240xf32, #tpu.memory_space<vmem>>, vector<16xf32>,
      %mul3A_21 = arith.constant 16 : i32
      %mul3A_22 = arith.muli %scan3A_17, %mul3A_21 : i32
      %swap3A_23 = arith.index_cast %mul3A_22 : i32 to index
      %swap3A_24 = tpu.vector_load %arg9[%swap3A_23] {strides = array<i32>} : memref<10240xf32, #tpu.memory_space<vmem>>, vector<16xf32>,
      tpu.vector_store %arg9[%swap3A_23], %broadcast_in_dim3A_3 {strides = array<i32>} : memref<10240xf32, #tpu.memory_space<vmem>>, vector<16xf32>,
    }
    %scan3A_8 = arith.constant 640 : i32
    %broadcast_in_dim3A_9 = arith.constant 1.000000e+00 : f32
    %broadcast_in_dim3A_10 = vector.broadcast %broadcast_in_dim3A_9 : f32 to vector<16xf32>
    %scan3A_11 = arith.constant 0 : i32
    %scan3A_12 = arith.constant 0 : i32
    %scan3A_13 = arith.constant 632 : i32
    %scan3A_14 = arith.addi %scan3A_12, %scan3A_13 : i32
    %scan3A_15 = arith.constant 1 : i32
    scf.for %scan3A_17 = %scan3A_12 to %scan3A_14 step %scan3A_15  : i32 {
      %mul3A_18 = arith.constant 16 : i32
      %mul3A_19 = arith.muli %scan3A_17, %mul3A_18 : i32
      %get3A = arith.index_cast %mul3A_19 : i32 to index
      %get3A_20 = tpu.vector_load %arg6[%get3A] {strides = array<i32>} : memref<10112xi32, #tpu.memory_space<vmem>>, vector<16xi32>,
      %mul3A_21 = arith.constant 16 : i32
      %mul3A_22 = arith.muli %scan3A_17, %mul3A_21 : i32
      %get3A_23 = arith.index_cast %mul3A_22 : i32 to index
      %get3A_24 = tpu.vector_load %arg7[%get3A_23] {strides = array<i32>} : memref<10112xi32, #tpu.memory_space<vmem>>, vector<16xi32>,
      tpu.vector_store_idx %arg8[%get3A_20], %broadcast_in_dim3A_10 {add = true} : memref<10240xf32, #tpu.memory_space<vmem>>[vector<16xi32>], vector<16xf32>,
      tpu.vector_store_idx %arg9[%get3A_24], %broadcast_in_dim3A_10 {add = true} : memref<10240xf32, #tpu.memory_space<vmem>>[vector<16xi32>], vector<16xf32>,
    }
    %scan3A_16 = arith.constant 632 : i32
    "tpu.region"() ({
      %run_scoped3A = tpu.sem_alloc : memref<!tpu.dma_semaphore, #tpu.memory_space<semaphore_mem>>
      %dma_start3A = arith.constant 0 : i32
      %dma_start3A_17 = tpu.memref_slice %arg4[%add3A, %dma_start3A] : memref<32x10240xf32, #tpu.memory_space<hbm>> -> memref<1x10240xf32, #tpu.memory_space<hbm>>
      %dma_start3A_18 = tpu.memref_squeeze %dma_start3A_17 : memref<1x10240xf32, #tpu.memory_space<hbm>> -> memref<10240xf32, #tpu.memory_space<hbm>>
      %dma_start3A_19 = arith.constant 0 : i32
      %dma_start3A_20 = tpu.memref_slice %arg4[%add3A, %dma_start3A_19] : memref<32x10240xf32, #tpu.memory_space<hbm>> -> memref<1x10240xf32, #tpu.memory_space<hbm>>
      %dma_start3A_21 = tpu.memref_squeeze %dma_start3A_20 : memref<1x10240xf32, #tpu.memory_space<hbm>> -> memref<10240xf32, #tpu.memory_space<hbm>>
      tpu.enqueue_dma source(%arg8 : memref<10240xf32, #tpu.memory_space<vmem>>) target(%dma_start3A_21 : memref<10240xf32, #tpu.memory_space<hbm>>) target_semaphore(%run_scoped3A : memref<!tpu.dma_semaphore, #tpu.memory_space<semaphore_mem>>)
      %dma_wait3A = arith.constant 0 : i32
      %dma_wait3A_22 = tpu.memref_slice %arg4[%add3A, %dma_wait3A] : memref<32x10240xf32, #tpu.memory_space<hbm>> -> memref<1x10240xf32, #tpu.memory_space<hbm>>
      %dma_wait3A_23 = tpu.memref_squeeze %dma_wait3A_22 : memref<1x10240xf32, #tpu.memory_space<hbm>> -> memref<10240xf32, #tpu.memory_space<hbm>>
      %dma_wait3A_24 = arith.constant 0 : i32
      %dma_wait3A_25 = tpu.memref_slice %arg4[%add3A, %dma_wait3A_24] : memref<32x10240xf32, #tpu.memory_space<hbm>> -> memref<1x10240xf32, #tpu.memory_space<hbm>>
      %dma_wait3A_26 = tpu.memref_squeeze %dma_wait3A_25 : memref<1x10240xf32, #tpu.memory_space<hbm>> -> memref<10240xf32, #tpu.memory_space<hbm>>
      tpu.wait_dma2 semaphore(%run_scoped3A : memref<!tpu.dma_semaphore, #tpu.memory_space<semaphore_mem>>) src(%arg8 : memref<10240xf32, #tpu.memory_space<vmem>>) dst(%dma_wait3A_26 : memref<10240xf32, #tpu.memory_space<hbm>>)
      tpu.yield
    }) : () -> ()
    "tpu.region"() ({
      %run_scoped3A = tpu.sem_alloc : memref<!tpu.dma_semaphore, #tpu.memory_space<semaphore_mem>>
      %dma_start3A = arith.constant 0 : i32
      %dma_start3A_17 = tpu.memref_slice %arg5[%add3A, %dma_start3A] : memref<32x10240xf32, #tpu.memory_space<hbm>> -> memref<1x10240xf32, #tpu.memory_space<hbm>>
      %dma_start3A_18 = tpu.memref_squeeze %dma_start3A_17 : memref<1x10240xf32, #tpu.memory_space<hbm>> -> memref<10240xf32, #tpu.memory_space<hbm>>
      %dma_start3A_19 = arith.constant 0 : i32
      %dma_start3A_20 = tpu.memref_slice %arg5[%add3A, %dma_start3A_19] : memref<32x10240xf32, #tpu.memory_space<hbm>> -> memref<1x10240xf32, #tpu.memory_space<hbm>>
      %dma_start3A_21 = tpu.memref_squeeze %dma_start3A_20 : memref<1x10240xf32, #tpu.memory_space<hbm>> -> memref<10240xf32, #tpu.memory_space<hbm>>
      tpu.enqueue_dma source(%arg9 : memref<10240xf32, #tpu.memory_space<vmem>>) target(%dma_start3A_21 : memref<10240xf32, #tpu.memory_space<hbm>>) target_semaphore(%run_scoped3A : memref<!tpu.dma_semaphore, #tpu.memory_space<semaphore_mem>>)
      %dma_wait3A = arith.constant 0 : i32
      %dma_wait3A_22 = tpu.memref_slice %arg5[%add3A, %dma_wait3A] : memref<32x10240xf32, #tpu.memory_space<hbm>> -> memref<1x10240xf32, #tpu.memory_space<hbm>>
      %dma_wait3A_23 = tpu.memref_squeeze %dma_wait3A_22 : memref<1x10240xf32, #tpu.memory_space<hbm>> -> memref<10240xf32, #tpu.memory_space<hbm>>
      %dma_wait3A_24 = arith.constant 0 : i32
      %dma_wait3A_25 = tpu.memref_slice %arg5[%add3A, %dma_wait3A_24] : memref<32x10240xf32, #tpu.memory_space<hbm>> -> memref<1x10240xf32, #tpu.memory_space<hbm>>
      %dma_wait3A_26 = tpu.memref_squeeze %dma_wait3A_25 : memref<1x10240xf32, #tpu.memory_space<hbm>> -> memref<10240xf32, #tpu.memory_space<hbm>>
      tpu.wait_dma2 semaphore(%run_scoped3A : memref<!tpu.dma_semaphore, #tpu.memory_space<semaphore_mem>>) src(%arg9 : memref<10240xf32, #tpu.memory_space<vmem>>) dst(%dma_wait3A_26 : memref<10240xf32, #tpu.memory_space<hbm>>)
      tpu.yield
    }) : () -> ()
    return
  }
}

#map = affine_map<(d0, d1) -> (0, 0)>
#map1 = affine_map<(d0, d1) -> (0)>
#map2 = affine_map<(d0, d1) -> (0, 0, 0)>
module attributes {stable_mosaic.version = 14 : i64} {
  func.func @_agg_body(%arg0: i32, %arg1: i32, %arg2: memref<10240x128xf32, #tpu.memory_space<hbm>>, %arg3: memref<323584xi32, #tpu.memory_space<hbm>>, %arg4: memref<323584xi32, #tpu.memory_space<hbm>>, %arg5: memref<2x10240x128xf32, #tpu.memory_space<hbm>>, %arg6: memref<1x128xi32, #tpu.memory_space<vmem>>, %arg7: memref<1x128xi32, #tpu.memory_space<vmem>>, %arg8: memref<128x128xf32, #tpu.memory_space<vmem>>, %arg9: memref<128x128xf32, #tpu.memory_space<vmem>>, %arg10: memref<10240x128xf32, #tpu.memory_space<vmem_shared>>) attributes {dimension_semantics = [#tpu.dimension_semantics<core_parallel>, #tpu.dimension_semantics<subcore_parallel>], iteration_bounds = array<i64: 2, 16>, scalar_prefetch = 0 : i64, scratch_operands = 5 : i64, tpu.core_type = #tpu.core_type<sc_vector_subcore>, window_params = [{transform_indices = #map}, {transform_indices = #map1}, {transform_indices = #map1}, {transform_indices = #map2}]} {
    %mul3A = arith.constant 16 : i32
    %mul3A_0 = arith.muli %arg0, %mul3A : i32
    %add3A = arith.addi %mul3A_0, %arg1 : i32
    %mul3A_1 = arith.constant 10112 : i32
    %mul3A_2 = arith.muli %add3A, %mul3A_1 : i32
    %broadcast_in_dim3A = arith.constant 0.000000e+00 : f32
    %broadcast_in_dim3A_3 = vector.broadcast %broadcast_in_dim3A : f32 to vector<16xf32>
    %scan3A = arith.constant 0 : i32
    %scan3A_4 = arith.constant 0 : i32
    %scan3A_5 = arith.constant 1024 : i32
    %scan3A_6 = arith.addi %scan3A_4, %scan3A_5 : i32
    %scan3A_7 = arith.constant 1 : i32
    scf.for %scan3A_40 = %scan3A_4 to %scan3A_6 step %scan3A_7  : i32 {
      %jit3A = arith.constant 8 : i32
      %div3A = arith.divsi %scan3A_40, %jit3A : i32
      %sign3A = arith.constant 0 : i32
      %sign3A_41 = arith.cmpi sgt, %scan3A_40, %sign3A : i32
      %sign3A_42 = arith.extui %sign3A_41 : i1 to i32
      %sign3A_43 = arith.constant 0 : i32
      %sign3A_44 = arith.cmpi slt, %scan3A_40, %sign3A_43 : i32
      %sign3A_45 = arith.extui %sign3A_44 : i1 to i32
      %sign3A_46 = arith.subi %sign3A_42, %sign3A_45 : i32
      %sign3A_47 = arith.constant 0 : i32
      %sign3A_48 = arith.cmpi sgt, %jit3A, %sign3A_47 : i32
      %sign3A_49 = arith.extui %sign3A_48 : i1 to i32
      %sign3A_50 = arith.constant 0 : i32
      %sign3A_51 = arith.cmpi slt, %jit3A, %sign3A_50 : i32
      %sign3A_52 = arith.extui %sign3A_51 : i1 to i32
      %sign3A_53 = arith.subi %sign3A_49, %sign3A_52 : i32
      %ne3A = arith.cmpi ne, %sign3A_46, %sign3A_53 : i32
      %rem3A = arith.remsi %scan3A_40, %jit3A : i32
      %ne3A_54 = arith.constant 0 : i32
      %ne3A_55 = arith.cmpi ne, %rem3A, %ne3A_54 : i32
      %and3A = arith.andi %ne3A, %ne3A_55 : i1
      %sub3A = arith.constant 1 : i32
      %sub3A_56 = arith.subi %div3A, %sub3A : i32
      %select_n3A = arith.select %and3A, %sub3A_56, %div3A : i32
      %jit3A_57 = arith.constant 8 : i32
      %eq3A = arith.constant 0 : i32
      %eq3A_58 = arith.cmpi eq, %jit3A_57, %eq3A : i32
      %jit3A_59 = arith.constant 1 : i32
      %select_n3A_60 = arith.select %eq3A_58, %jit3A_59, %jit3A_57 : i32
      %rem3A_61 = arith.remsi %scan3A_40, %select_n3A_60 : i32
      %ne3A_62 = arith.constant 0 : i32
      %ne3A_63 = arith.cmpi ne, %rem3A_61, %ne3A_62 : i32
      %lt3A = arith.constant 0 : i32
      %lt3A_64 = arith.cmpi slt, %rem3A_61, %lt3A : i32
      %lt3A_65 = arith.constant 0 : i32
      %lt3A_66 = arith.cmpi slt, %select_n3A_60, %lt3A_65 : i32
      %ne3A_67 = arith.xori %lt3A_64, %lt3A_66 : i1
      %and3A_68 = arith.andi %ne3A_67, %ne3A_63 : i1
      %add3A_69 = arith.addi %rem3A_61, %select_n3A_60 : i32
      %select_n3A_70 = arith.select %and3A_68, %add3A_69, %rem3A_61 : i32
      %mul3A_71 = arith.constant 16 : i32
      %mul3A_72 = arith.muli %select_n3A_70, %mul3A_71 : i32
      %swap3A = arith.index_cast %select_n3A : i32 to index
      %swap3A_73 = arith.index_cast %mul3A_72 : i32 to index
      %swap3A_74 = tpu.vector_load %arg9[%swap3A, %swap3A_73] {strides = array<i32>} : memref<128x128xf32, #tpu.memory_space<vmem>>, vector<16xf32>,
      tpu.vector_store %arg9[%swap3A, %swap3A_73], %broadcast_in_dim3A_3 {strides = array<i32>} : memref<128x128xf32, #tpu.memory_space<vmem>>, vector<16xf32>,
    }
    %scan3A_8 = arith.constant 1024 : i32
    %mul3A_9 = arith.constant 640 : i32
    %mul3A_10 = arith.muli %arg1, %mul3A_9 : i32
    %add3A_11 = arith.constant 0 : i32
    %add3A_12 = arith.addi %mul3A_10, %add3A_11 : i32
    "tpu.region"() ({
      %run_scoped3A = tpu.sem_alloc : memref<!tpu.dma_semaphore, #tpu.memory_space<semaphore_mem>>
      %dma_start3A = arith.constant 0 : i32
      %dma_start3A_40 = tpu.memref_slice %arg10[%add3A_12, %dma_start3A] : memref<10240x128xf32, #tpu.memory_space<vmem_shared>> -> memref<128x128xf32, #tpu.memory_space<vmem_shared>>
      %dma_start3A_41 = arith.constant 0 : i32
      %dma_start3A_42 = tpu.memref_slice %arg10[%add3A_12, %dma_start3A_41] : memref<10240x128xf32, #tpu.memory_space<vmem_shared>> -> memref<128x128xf32, #tpu.memory_space<vmem_shared>>
      tpu.enqueue_dma source(%arg9 : memref<128x128xf32, #tpu.memory_space<vmem>>) target(%dma_start3A_42 : memref<128x128xf32, #tpu.memory_space<vmem_shared>>) target_semaphore(%run_scoped3A : memref<!tpu.dma_semaphore, #tpu.memory_space<semaphore_mem>>)
      %dma_wait3A = arith.constant 0 : i32
      %dma_wait3A_43 = tpu.memref_slice %arg10[%add3A_12, %dma_wait3A] : memref<10240x128xf32, #tpu.memory_space<vmem_shared>> -> memref<128x128xf32, #tpu.memory_space<vmem_shared>>
      %dma_wait3A_44 = arith.constant 0 : i32
      %dma_wait3A_45 = tpu.memref_slice %arg10[%add3A_12, %dma_wait3A_44] : memref<10240x128xf32, #tpu.memory_space<vmem_shared>> -> memref<128x128xf32, #tpu.memory_space<vmem_shared>>
      tpu.wait_dma2 semaphore(%run_scoped3A : memref<!tpu.dma_semaphore, #tpu.memory_space<semaphore_mem>>) src(%arg9 : memref<128x128xf32, #tpu.memory_space<vmem>>) dst(%dma_wait3A_45 : memref<128x128xf32, #tpu.memory_space<vmem_shared>>)
      tpu.yield
    }) : () -> ()
    %mul3A_13 = arith.constant 640 : i32
    %mul3A_14 = arith.muli %arg1, %mul3A_13 : i32
    %add3A_15 = arith.constant 128 : i32
    %add3A_16 = arith.addi %mul3A_14, %add3A_15 : i32
    "tpu.region"() ({
      %run_scoped3A = tpu.sem_alloc : memref<!tpu.dma_semaphore, #tpu.memory_space<semaphore_mem>>
      %dma_start3A = arith.constant 0 : i32
      %dma_start3A_40 = tpu.memref_slice %arg10[%add3A_16, %dma_start3A] : memref<10240x128xf32, #tpu.memory_space<vmem_shared>> -> memref<128x128xf32, #tpu.memory_space<vmem_shared>>
      %dma_start3A_41 = arith.constant 0 : i32
      %dma_start3A_42 = tpu.memref_slice %arg10[%add3A_16, %dma_start3A_41] : memref<10240x128xf32, #tpu.memory_space<vmem_shared>> -> memref<128x128xf32, #tpu.memory_space<vmem_shared>>
      tpu.enqueue_dma source(%arg9 : memref<128x128xf32, #tpu.memory_space<vmem>>) target(%dma_start3A_42 : memref<128x128xf32, #tpu.memory_space<vmem_shared>>) target_semaphore(%run_scoped3A : memref<!tpu.dma_semaphore, #tpu.memory_space<semaphore_mem>>)
      %dma_wait3A = arith.constant 0 : i32
      %dma_wait3A_43 = tpu.memref_slice %arg10[%add3A_16, %dma_wait3A] : memref<10240x128xf32, #tpu.memory_space<vmem_shared>> -> memref<128x128xf32, #tpu.memory_space<vmem_shared>>
      %dma_wait3A_44 = arith.constant 0 : i32
      %dma_wait3A_45 = tpu.memref_slice %arg10[%add3A_16, %dma_wait3A_44] : memref<10240x128xf32, #tpu.memory_space<vmem_shared>> -> memref<128x128xf32, #tpu.memory_space<vmem_shared>>
      tpu.wait_dma2 semaphore(%run_scoped3A : memref<!tpu.dma_semaphore, #tpu.memory_space<semaphore_mem>>) src(%arg9 : memref<128x128xf32, #tpu.memory_space<vmem>>) dst(%dma_wait3A_45 : memref<128x128xf32, #tpu.memory_space<vmem_shared>>)
      tpu.yield
    }) : () -> ()
    %mul3A_17 = arith.constant 640 : i32
    %mul3A_18 = arith.muli %arg1, %mul3A_17 : i32
    %add3A_19 = arith.constant 256 : i32
    %add3A_20 = arith.addi %mul3A_18, %add3A_19 : i32
    "tpu.region"() ({
      %run_scoped3A = tpu.sem_alloc : memref<!tpu.dma_semaphore, #tpu.memory_space<semaphore_mem>>
      %dma_start3A = arith.constant 0 : i32
      %dma_start3A_40 = tpu.memref_slice %arg10[%add3A_20, %dma_start3A] : memref<10240x128xf32, #tpu.memory_space<vmem_shared>> -> memref<128x128xf32, #tpu.memory_space<vmem_shared>>
      %dma_start3A_41 = arith.constant 0 : i32
      %dma_start3A_42 = tpu.memref_slice %arg10[%add3A_20, %dma_start3A_41] : memref<10240x128xf32, #tpu.memory_space<vmem_shared>> -> memref<128x128xf32, #tpu.memory_space<vmem_shared>>
      tpu.enqueue_dma source(%arg9 : memref<128x128xf32, #tpu.memory_space<vmem>>) target(%dma_start3A_42 : memref<128x128xf32, #tpu.memory_space<vmem_shared>>) target_semaphore(%run_scoped3A : memref<!tpu.dma_semaphore, #tpu.memory_space<semaphore_mem>>)
      %dma_wait3A = arith.constant 0 : i32
      %dma_wait3A_43 = tpu.memref_slice %arg10[%add3A_20, %dma_wait3A] : memref<10240x128xf32, #tpu.memory_space<vmem_shared>> -> memref<128x128xf32, #tpu.memory_space<vmem_shared>>
      %dma_wait3A_44 = arith.constant 0 : i32
      %dma_wait3A_45 = tpu.memref_slice %arg10[%add3A_20, %dma_wait3A_44] : memref<10240x128xf32, #tpu.memory_space<vmem_shared>> -> memref<128x128xf32, #tpu.memory_space<vmem_shared>>
      tpu.wait_dma2 semaphore(%run_scoped3A : memref<!tpu.dma_semaphore, #tpu.memory_space<semaphore_mem>>) src(%arg9 : memref<128x128xf32, #tpu.memory_space<vmem>>) dst(%dma_wait3A_45 : memref<128x128xf32, #tpu.memory_space<vmem_shared>>)
      tpu.yield
    }) : () -> ()
    %mul3A_21 = arith.constant 640 : i32
    %mul3A_22 = arith.muli %arg1, %mul3A_21 : i32
    %add3A_23 = arith.constant 384 : i32
    %add3A_24 = arith.addi %mul3A_22, %add3A_23 : i32
    "tpu.region"() ({
      %run_scoped3A = tpu.sem_alloc : memref<!tpu.dma_semaphore, #tpu.memory_space<semaphore_mem>>
      %dma_start3A = arith.constant 0 : i32
      %dma_start3A_40 = tpu.memref_slice %arg10[%add3A_24, %dma_start3A] : memref<10240x128xf32, #tpu.memory_space<vmem_shared>> -> memref<128x128xf32, #tpu.memory_space<vmem_shared>>
      %dma_start3A_41 = arith.constant 0 : i32
      %dma_start3A_42 = tpu.memref_slice %arg10[%add3A_24, %dma_start3A_41] : memref<10240x128xf32, #tpu.memory_space<vmem_shared>> -> memref<128x128xf32, #tpu.memory_space<vmem_shared>>
      tpu.enqueue_dma source(%arg9 : memref<128x128xf32, #tpu.memory_space<vmem>>) target(%dma_start3A_42 : memref<128x128xf32, #tpu.memory_space<vmem_shared>>) target_semaphore(%run_scoped3A : memref<!tpu.dma_semaphore, #tpu.memory_space<semaphore_mem>>)
      %dma_wait3A = arith.constant 0 : i32
      %dma_wait3A_43 = tpu.memref_slice %arg10[%add3A_24, %dma_wait3A] : memref<10240x128xf32, #tpu.memory_space<vmem_shared>> -> memref<128x128xf32, #tpu.memory_space<vmem_shared>>
      %dma_wait3A_44 = arith.constant 0 : i32
      %dma_wait3A_45 = tpu.memref_slice %arg10[%add3A_24, %dma_wait3A_44] : memref<10240x128xf32, #tpu.memory_space<vmem_shared>> -> memref<128x128xf32, #tpu.memory_space<vmem_shared>>
      tpu.wait_dma2 semaphore(%run_scoped3A : memref<!tpu.dma_semaphore, #tpu.memory_space<semaphore_mem>>) src(%arg9 : memref<128x128xf32, #tpu.memory_space<vmem>>) dst(%dma_wait3A_45 : memref<128x128xf32, #tpu.memory_space<vmem_shared>>)
      tpu.yield
    }) : () -> ()
    %mul3A_25 = arith.constant 640 : i32
    %mul3A_26 = arith.muli %arg1, %mul3A_25 : i32
    %add3A_27 = arith.constant 512 : i32
    %add3A_28 = arith.addi %mul3A_26, %add3A_27 : i32
    "tpu.region"() ({
      %run_scoped3A = tpu.sem_alloc : memref<!tpu.dma_semaphore, #tpu.memory_space<semaphore_mem>>
      %dma_start3A = arith.constant 0 : i32
      %dma_start3A_40 = tpu.memref_slice %arg10[%add3A_28, %dma_start3A] : memref<10240x128xf32, #tpu.memory_space<vmem_shared>> -> memref<128x128xf32, #tpu.memory_space<vmem_shared>>
      %dma_start3A_41 = arith.constant 0 : i32
      %dma_start3A_42 = tpu.memref_slice %arg10[%add3A_28, %dma_start3A_41] : memref<10240x128xf32, #tpu.memory_space<vmem_shared>> -> memref<128x128xf32, #tpu.memory_space<vmem_shared>>
      tpu.enqueue_dma source(%arg9 : memref<128x128xf32, #tpu.memory_space<vmem>>) target(%dma_start3A_42 : memref<128x128xf32, #tpu.memory_space<vmem_shared>>) target_semaphore(%run_scoped3A : memref<!tpu.dma_semaphore, #tpu.memory_space<semaphore_mem>>)
      %dma_wait3A = arith.constant 0 : i32
      %dma_wait3A_43 = tpu.memref_slice %arg10[%add3A_28, %dma_wait3A] : memref<10240x128xf32, #tpu.memory_space<vmem_shared>> -> memref<128x128xf32, #tpu.memory_space<vmem_shared>>
      %dma_wait3A_44 = arith.constant 0 : i32
      %dma_wait3A_45 = tpu.memref_slice %arg10[%add3A_28, %dma_wait3A_44] : memref<10240x128xf32, #tpu.memory_space<vmem_shared>> -> memref<128x128xf32, #tpu.memory_space<vmem_shared>>
      tpu.wait_dma2 semaphore(%run_scoped3A : memref<!tpu.dma_semaphore, #tpu.memory_space<semaphore_mem>>) src(%arg9 : memref<128x128xf32, #tpu.memory_space<vmem>>) dst(%dma_wait3A_45 : memref<128x128xf32, #tpu.memory_space<vmem_shared>>)
      tpu.yield
    }) : () -> ()
    %barrier3A = arith.constant 0 : index
    tpu.barrier barrier_id(%barrier3A)
    %scan3A_29 = arith.constant 0 : i32
    %scan3A_30 = arith.constant 0 : i32
    %scan3A_31 = arith.constant 79 : i32
    %scan3A_32 = arith.addi %scan3A_30, %scan3A_31 : i32
    %scan3A_33 = arith.constant 1 : i32
    scf.for %scan3A_40 = %scan3A_30 to %scan3A_32 step %scan3A_33  : i32 {
      %mul3A_41 = arith.constant 128 : i32
      %mul3A_42 = arith.muli %scan3A_40, %mul3A_41 : i32
      %add3A_43 = arith.addi %mul3A_2, %mul3A_42 : i32
      %run_scoped3A = arith.constant 0 : i32
      "tpu.region"() ({
        %run_scoped3A_50 = tpu.sem_alloc : memref<!tpu.dma_semaphore, #tpu.memory_space<semaphore_mem>>
        %dma_start3A = arith.constant 0 : i32
        %dma_start3A_51 = tpu.memref_slice %arg6[%run_scoped3A, %dma_start3A] : memref<1x128xi32, #tpu.memory_space<vmem>> -> memref<1x128xi32, #tpu.memory_space<vmem>>
        %dma_start3A_52 = tpu.memref_squeeze %dma_start3A_51 : memref<1x128xi32, #tpu.memory_space<vmem>> -> memref<128xi32, #tpu.memory_space<vmem>>
        %dma_start3A_53 = tpu.memref_slice %arg3[%add3A_43] : memref<323584xi32, #tpu.memory_space<hbm>> -> memref<128xi32, #tpu.memory_space<hbm>>
        %dma_start3A_54 = arith.constant 0 : i32
        %dma_start3A_55 = tpu.memref_slice %arg6[%run_scoped3A, %dma_start3A_54] : memref<1x128xi32, #tpu.memory_space<vmem>> -> memref<1x128xi32, #tpu.memory_space<vmem>>
        %dma_start3A_56 = tpu.memref_squeeze %dma_start3A_55 : memref<1x128xi32, #tpu.memory_space<vmem>> -> memref<128xi32, #tpu.memory_space<vmem>>
        %dma_start3A_57 = tpu.memref_slice %arg3[%add3A_43] : memref<323584xi32, #tpu.memory_space<hbm>> -> memref<128xi32, #tpu.memory_space<hbm>>
        tpu.enqueue_dma source(%dma_start3A_57 : memref<128xi32, #tpu.memory_space<hbm>>) target(%dma_start3A_56 : memref<128xi32, #tpu.memory_space<vmem>>) target_semaphore(%run_scoped3A_50 : memref<!tpu.dma_semaphore, #tpu.memory_space<semaphore_mem>>)
        %dma_wait3A = arith.constant 0 : i32
        %dma_wait3A_58 = tpu.memref_slice %arg6[%run_scoped3A, %dma_wait3A] : memref<1x128xi32, #tpu.memory_space<vmem>> -> memref<1x128xi32, #tpu.memory_space<vmem>>
        %dma_wait3A_59 = tpu.memref_squeeze %dma_wait3A_58 : memref<1x128xi32, #tpu.memory_space<vmem>> -> memref<128xi32, #tpu.memory_space<vmem>>
        %dma_wait3A_60 = tpu.memref_slice %arg3[%add3A_43] : memref<323584xi32, #tpu.memory_space<hbm>> -> memref<128xi32, #tpu.memory_space<hbm>>
        %dma_wait3A_61 = arith.constant 0 : i32
        %dma_wait3A_62 = tpu.memref_slice %arg6[%run_scoped3A, %dma_wait3A_61] : memref<1x128xi32, #tpu.memory_space<vmem>> -> memref<1x128xi32, #tpu.memory_space<vmem>>
        %dma_wait3A_63 = tpu.memref_squeeze %dma_wait3A_62 : memref<1x128xi32, #tpu.memory_space<vmem>> -> memref<128xi32, #tpu.memory_space<vmem>>
        %dma_wait3A_64 = tpu.memref_slice %arg3[%add3A_43] : memref<323584xi32, #tpu.memory_space<hbm>> -> memref<128xi32, #tpu.memory_space<hbm>>
        tpu.wait_dma2 semaphore(%run_scoped3A_50 : memref<!tpu.dma_semaphore, #tpu.memory_space<semaphore_mem>>) src(%dma_wait3A_64 : memref<128xi32, #tpu.memory_space<hbm>>) dst(%dma_wait3A_63 : memref<128xi32, #tpu.memory_space<vmem>>)
        tpu.yield
      }) : () -> ()
      %mul3A_44 = arith.constant 128 : i32
      %mul3A_45 = arith.muli %scan3A_40, %mul3A_44 : i32
      %add3A_46 = arith.addi %mul3A_2, %mul3A_45 : i32
      %run_scoped3A_47 = arith.constant 0 : i32
      "tpu.region"() ({
        %run_scoped3A_50 = tpu.sem_alloc : memref<!tpu.dma_semaphore, #tpu.memory_space<semaphore_mem>>
        %dma_start3A = arith.constant 0 : i32
        %dma_start3A_51 = tpu.memref_slice %arg7[%run_scoped3A_47, %dma_start3A] : memref<1x128xi32, #tpu.memory_space<vmem>> -> memref<1x128xi32, #tpu.memory_space<vmem>>
        %dma_start3A_52 = tpu.memref_squeeze %dma_start3A_51 : memref<1x128xi32, #tpu.memory_space<vmem>> -> memref<128xi32, #tpu.memory_space<vmem>>
        %dma_start3A_53 = tpu.memref_slice %arg4[%add3A_46] : memref<323584xi32, #tpu.memory_space<hbm>> -> memref<128xi32, #tpu.memory_space<hbm>>
        %dma_start3A_54 = arith.constant 0 : i32
        %dma_start3A_55 = tpu.memref_slice %arg7[%run_scoped3A_47, %dma_start3A_54] : memref<1x128xi32, #tpu.memory_space<vmem>> -> memref<1x128xi32, #tpu.memory_space<vmem>>
        %dma_start3A_56 = tpu.memref_squeeze %dma_start3A_55 : memref<1x128xi32, #tpu.memory_space<vmem>> -> memref<128xi32, #tpu.memory_space<vmem>>
        %dma_start3A_57 = tpu.memref_slice %arg4[%add3A_46] : memref<323584xi32, #tpu.memory_space<hbm>> -> memref<128xi32, #tpu.memory_space<hbm>>
        tpu.enqueue_dma source(%dma_start3A_57 : memref<128xi32, #tpu.memory_space<hbm>>) target(%dma_start3A_56 : memref<128xi32, #tpu.memory_space<vmem>>) target_semaphore(%run_scoped3A_50 : memref<!tpu.dma_semaphore, #tpu.memory_space<semaphore_mem>>)
        %dma_wait3A = arith.constant 0 : i32
        %dma_wait3A_58 = tpu.memref_slice %arg7[%run_scoped3A_47, %dma_wait3A] : memref<1x128xi32, #tpu.memory_space<vmem>> -> memref<1x128xi32, #tpu.memory_space<vmem>>
        %dma_wait3A_59 = tpu.memref_squeeze %dma_wait3A_58 : memref<1x128xi32, #tpu.memory_space<vmem>> -> memref<128xi32, #tpu.memory_space<vmem>>
        %dma_wait3A_60 = tpu.memref_slice %arg4[%add3A_46] : memref<323584xi32, #tpu.memory_space<hbm>> -> memref<128xi32, #tpu.memory_space<hbm>>
        %dma_wait3A_61 = arith.constant 0 : i32
        %dma_wait3A_62 = tpu.memref_slice %arg7[%run_scoped3A_47, %dma_wait3A_61] : memref<1x128xi32, #tpu.memory_space<vmem>> -> memref<1x128xi32, #tpu.memory_space<vmem>>
        %dma_wait3A_63 = tpu.memref_squeeze %dma_wait3A_62 : memref<1x128xi32, #tpu.memory_space<vmem>> -> memref<128xi32, #tpu.memory_space<vmem>>
        %dma_wait3A_64 = tpu.memref_slice %arg4[%add3A_46] : memref<323584xi32, #tpu.memory_space<hbm>> -> memref<128xi32, #tpu.memory_space<hbm>>
        tpu.wait_dma2 semaphore(%run_scoped3A_50 : memref<!tpu.dma_semaphore, #tpu.memory_space<semaphore_mem>>) src(%dma_wait3A_64 : memref<128xi32, #tpu.memory_space<hbm>>) dst(%dma_wait3A_63 : memref<128xi32, #tpu.memory_space<vmem>>)
        tpu.yield
      }) : () -> ()
      %run_scoped3A_48 = arith.constant 0 : i32
      "tpu.region"() ({
        %run_scoped3A_50 = tpu.sem_alloc : memref<!tpu.dma_semaphore, #tpu.memory_space<semaphore_mem>>
        %dma_start3A = arith.constant 0 : i32
        %dma_start3A_51 = tpu.memref_slice %arg6[%run_scoped3A_48, %dma_start3A] : memref<1x128xi32, #tpu.memory_space<vmem>> -> memref<1x128xi32, #tpu.memory_space<vmem>>
        %dma_start3A_52 = tpu.memref_squeeze %dma_start3A_51 : memref<1x128xi32, #tpu.memory_space<vmem>> -> memref<128xi32, #tpu.memory_space<vmem>>
        %dma_start3A_53 = arith.constant 0 : i32
        %dma_start3A_54 = arith.constant 0 : i32
        %dma_start3A_55 = tpu.memref_slice %arg2[%dma_start3A_53, %dma_start3A_54] : memref<10240x128xf32, #tpu.memory_space<hbm>> -> memref<10240x128xf32, #tpu.memory_space<hbm>>
        tpu.enqueue_indirect_dma source(%dma_start3A_55 : memref<10240x128xf32, #tpu.memory_space<hbm>>) target(%arg8 : memref<128x128xf32, #tpu.memory_space<vmem>>) offsets(%dma_start3A_52 : memref<128xi32, #tpu.memory_space<vmem>>) semaphore(%run_scoped3A_50 : memref<!tpu.dma_semaphore, #tpu.memory_space<semaphore_mem>>)
        %dma_wait3A = arith.constant 0 : i32
        %dma_wait3A_56 = tpu.memref_slice %arg6[%run_scoped3A_48, %dma_wait3A] : memref<1x128xi32, #tpu.memory_space<vmem>> -> memref<1x128xi32, #tpu.memory_space<vmem>>
        %dma_wait3A_57 = tpu.memref_squeeze %dma_wait3A_56 : memref<1x128xi32, #tpu.memory_space<vmem>> -> memref<128xi32, #tpu.memory_space<vmem>>
        %dma_wait3A_58 = arith.constant 0 : i32
        %dma_wait3A_59 = arith.constant 0 : i32
        %dma_wait3A_60 = tpu.memref_slice %arg2[%dma_wait3A_58, %dma_wait3A_59] : memref<10240x128xf32, #tpu.memory_space<hbm>> -> memref<10240x128xf32, #tpu.memory_space<hbm>>
        tpu.wait_indirect_dma semaphore(%run_scoped3A_50 : memref<!tpu.dma_semaphore, #tpu.memory_space<semaphore_mem>>) src(%dma_wait3A_60 : memref<10240x128xf32, #tpu.memory_space<hbm>>) dst(%arg8 : memref<128x128xf32, #tpu.memory_space<vmem>>)
        tpu.yield
      }) : () -> ()
      %run_scoped3A_49 = arith.constant 0 : i32
      "tpu.region"() ({
        %run_scoped3A_50 = tpu.sem_alloc : memref<!tpu.dma_semaphore, #tpu.memory_space<semaphore_mem>>
        %dma_start3A = arith.constant 0 : i32
        %dma_start3A_51 = tpu.memref_slice %arg7[%run_scoped3A_49, %dma_start3A] : memref<1x128xi32, #tpu.memory_space<vmem>> -> memref<1x128xi32, #tpu.memory_space<vmem>>
        %dma_start3A_52 = tpu.memref_squeeze %dma_start3A_51 : memref<1x128xi32, #tpu.memory_space<vmem>> -> memref<128xi32, #tpu.memory_space<vmem>>
        %dma_start3A_53 = arith.constant 0 : i32
        %dma_start3A_54 = arith.constant 0 : i32
        %dma_start3A_55 = tpu.memref_slice %arg10[%dma_start3A_53, %dma_start3A_54] : memref<10240x128xf32, #tpu.memory_space<vmem_shared>> -> memref<10240x128xf32, #tpu.memory_space<vmem_shared>>
        tpu.enqueue_indirect_dma source(%arg8 : memref<128x128xf32, #tpu.memory_space<vmem>>) target(%dma_start3A_55 : memref<10240x128xf32, #tpu.memory_space<vmem_shared>>) offsets(%dma_start3A_52 : memref<128xi32, #tpu.memory_space<vmem>>) semaphore(%run_scoped3A_50 : memref<!tpu.dma_semaphore, #tpu.memory_space<semaphore_mem>>) {add = true}
        %dma_wait3A = arith.constant 0 : i32
        %dma_wait3A_56 = tpu.memref_slice %arg7[%run_scoped3A_49, %dma_wait3A] : memref<1x128xi32, #tpu.memory_space<vmem>> -> memref<1x128xi32, #tpu.memory_space<vmem>>
        %dma_wait3A_57 = tpu.memref_squeeze %dma_wait3A_56 : memref<1x128xi32, #tpu.memory_space<vmem>> -> memref<128xi32, #tpu.memory_space<vmem>>
        %dma_wait3A_58 = arith.constant 0 : i32
        %dma_wait3A_59 = arith.constant 0 : i32
        %dma_wait3A_60 = tpu.memref_slice %arg10[%dma_wait3A_58, %dma_wait3A_59] : memref<10240x128xf32, #tpu.memory_space<vmem_shared>> -> memref<10240x128xf32, #tpu.memory_space<vmem_shared>>
        tpu.wait_indirect_dma semaphore(%run_scoped3A_50 : memref<!tpu.dma_semaphore, #tpu.memory_space<semaphore_mem>>) src(%arg8 : memref<128x128xf32, #tpu.memory_space<vmem>>) dst(%dma_wait3A_60 : memref<10240x128xf32, #tpu.memory_space<vmem_shared>>)
        tpu.yield
      }) : () -> ()
    }
    %scan3A_34 = arith.constant 79 : i32
    %barrier3A_35 = arith.constant 0 : index
    tpu.barrier barrier_id(%barrier3A_35)
    %mul3A_36 = arith.constant 640 : i32
    %mul3A_37 = arith.muli %arg1, %mul3A_36 : i32
    %mul3A_38 = arith.constant 640 : i32
    %mul3A_39 = arith.muli %arg1, %mul3A_38 : i32
    "tpu.region"() ({
      %run_scoped3A = tpu.sem_alloc : memref<!tpu.dma_semaphore, #tpu.memory_space<semaphore_mem>>
      %dma_start3A = arith.constant 0 : i32
      %dma_start3A_40 = tpu.memref_slice %arg5[%arg0, %mul3A_39, %dma_start3A] : memref<2x10240x128xf32, #tpu.memory_space<hbm>> -> memref<1x640x128xf32, #tpu.memory_space<hbm>>
      %dma_start3A_41 = tpu.memref_squeeze %dma_start3A_40 : memref<1x640x128xf32, #tpu.memory_space<hbm>> -> memref<640x128xf32, #tpu.memory_space<hbm>>
      %dma_start3A_42 = arith.constant 0 : i32
      %dma_start3A_43 = tpu.memref_slice %arg10[%mul3A_37, %dma_start3A_42] : memref<10240x128xf32, #tpu.memory_space<vmem_shared>> -> memref<640x128xf32, #tpu.memory_space<vmem_shared>>
      tpu.enqueue_dma source(%dma_start3A_43 : memref<640x128xf32, #tpu.memory_space<vmem_shared>>) target(%dma_start3A_41 : memref<640x128xf32, #tpu.memory_space<hbm>>) target_semaphore(%run_scoped3A : memref<!tpu.dma_semaphore, #tpu.memory_space<semaphore_mem>>)
      %dma_wait3A = arith.constant 0 : i32
      %dma_wait3A_44 = tpu.memref_slice %arg5[%arg0, %mul3A_39, %dma_wait3A] : memref<2x10240x128xf32, #tpu.memory_space<hbm>> -> memref<1x640x128xf32, #tpu.memory_space<hbm>>
      %dma_wait3A_45 = tpu.memref_squeeze %dma_wait3A_44 : memref<1x640x128xf32, #tpu.memory_space<hbm>> -> memref<640x128xf32, #tpu.memory_space<hbm>>
      %dma_wait3A_46 = arith.constant 0 : i32
      %dma_wait3A_47 = tpu.memref_slice %arg10[%mul3A_37, %dma_wait3A_46] : memref<10240x128xf32, #tpu.memory_space<vmem_shared>> -> memref<640x128xf32, #tpu.memory_space<vmem_shared>>
      tpu.wait_dma2 semaphore(%run_scoped3A : memref<!tpu.dma_semaphore, #tpu.memory_space<semaphore_mem>>) src(%dma_wait3A_47 : memref<640x128xf32, #tpu.memory_space<vmem_shared>>) dst(%dma_wait3A_45 : memref<640x128xf32, #tpu.memory_space<hbm>>)
      tpu.yield
    }) : () -> ()
    return
  }
}

#map = affine_map<(d0, d1) -> (0, 0)>
#map1 = affine_map<(d0, d1) -> (0)>
#map2 = affine_map<(d0, d1) -> (0, 0, 0)>
module attributes {stable_mosaic.version = 14 : i64} {
  func.func @_agg_body(%arg0: i32, %arg1: i32, %arg2: memref<10240x128xf32, #tpu.memory_space<hbm>>, %arg3: memref<323584xi32, #tpu.memory_space<hbm>>, %arg4: memref<323584xi32, #tpu.memory_space<hbm>>, %arg5: memref<2x10240x128xf32, #tpu.memory_space<hbm>>, %arg6: memref<1x128xi32, #tpu.memory_space<vmem>>, %arg7: memref<1x128xi32, #tpu.memory_space<vmem>>, %arg8: memref<128x128xf32, #tpu.memory_space<vmem>>, %arg9: memref<128x128xf32, #tpu.memory_space<vmem>>, %arg10: memref<10240x128xf32, #tpu.memory_space<vmem_shared>>) attributes {dimension_semantics = [#tpu.dimension_semantics<core_parallel>, #tpu.dimension_semantics<subcore_parallel>], iteration_bounds = array<i64: 2, 16>, scalar_prefetch = 0 : i64, scratch_operands = 5 : i64, tpu.core_type = #tpu.core_type<sc_vector_subcore>, window_params = [{transform_indices = #map}, {transform_indices = #map1}, {transform_indices = #map1}, {transform_indices = #map2}]} {
    %mul3A = arith.constant 16 : i32
    %mul3A_0 = arith.muli %arg0, %mul3A : i32
    %add3A = arith.addi %mul3A_0, %arg1 : i32
    %mul3A_1 = arith.constant 10112 : i32
    %mul3A_2 = arith.muli %add3A, %mul3A_1 : i32
    %broadcast_in_dim3A = arith.constant 0.000000e+00 : f32
    %broadcast_in_dim3A_3 = vector.broadcast %broadcast_in_dim3A : f32 to vector<16xf32>
    %scan3A = arith.constant 0 : i32
    %scan3A_4 = arith.constant 0 : i32
    %scan3A_5 = arith.constant 1024 : i32
    %scan3A_6 = arith.addi %scan3A_4, %scan3A_5 : i32
    %scan3A_7 = arith.constant 1 : i32
    scf.for %scan3A_40 = %scan3A_4 to %scan3A_6 step %scan3A_7  : i32 {
      %jit3A = arith.constant 8 : i32
      %div3A = arith.divsi %scan3A_40, %jit3A : i32
      %sign3A = arith.constant 0 : i32
      %sign3A_41 = arith.cmpi sgt, %scan3A_40, %sign3A : i32
      %sign3A_42 = arith.extui %sign3A_41 : i1 to i32
      %sign3A_43 = arith.constant 0 : i32
      %sign3A_44 = arith.cmpi slt, %scan3A_40, %sign3A_43 : i32
      %sign3A_45 = arith.extui %sign3A_44 : i1 to i32
      %sign3A_46 = arith.subi %sign3A_42, %sign3A_45 : i32
      %sign3A_47 = arith.constant 0 : i32
      %sign3A_48 = arith.cmpi sgt, %jit3A, %sign3A_47 : i32
      %sign3A_49 = arith.extui %sign3A_48 : i1 to i32
      %sign3A_50 = arith.constant 0 : i32
      %sign3A_51 = arith.cmpi slt, %jit3A, %sign3A_50 : i32
      %sign3A_52 = arith.extui %sign3A_51 : i1 to i32
      %sign3A_53 = arith.subi %sign3A_49, %sign3A_52 : i32
      %ne3A = arith.cmpi ne, %sign3A_46, %sign3A_53 : i32
      %rem3A = arith.remsi %scan3A_40, %jit3A : i32
      %ne3A_54 = arith.constant 0 : i32
      %ne3A_55 = arith.cmpi ne, %rem3A, %ne3A_54 : i32
      %and3A = arith.andi %ne3A, %ne3A_55 : i1
      %sub3A = arith.constant 1 : i32
      %sub3A_56 = arith.subi %div3A, %sub3A : i32
      %select_n3A = arith.select %and3A, %sub3A_56, %div3A : i32
      %jit3A_57 = arith.constant 8 : i32
      %eq3A = arith.constant 0 : i32
      %eq3A_58 = arith.cmpi eq, %jit3A_57, %eq3A : i32
      %jit3A_59 = arith.constant 1 : i32
      %select_n3A_60 = arith.select %eq3A_58, %jit3A_59, %jit3A_57 : i32
      %rem3A_61 = arith.remsi %scan3A_40, %select_n3A_60 : i32
      %ne3A_62 = arith.constant 0 : i32
      %ne3A_63 = arith.cmpi ne, %rem3A_61, %ne3A_62 : i32
      %lt3A = arith.constant 0 : i32
      %lt3A_64 = arith.cmpi slt, %rem3A_61, %lt3A : i32
      %lt3A_65 = arith.constant 0 : i32
      %lt3A_66 = arith.cmpi slt, %select_n3A_60, %lt3A_65 : i32
      %ne3A_67 = arith.xori %lt3A_64, %lt3A_66 : i1
      %and3A_68 = arith.andi %ne3A_67, %ne3A_63 : i1
      %add3A_69 = arith.addi %rem3A_61, %select_n3A_60 : i32
      %select_n3A_70 = arith.select %and3A_68, %add3A_69, %rem3A_61 : i32
      %mul3A_71 = arith.constant 16 : i32
      %mul3A_72 = arith.muli %select_n3A_70, %mul3A_71 : i32
      %swap3A = arith.index_cast %select_n3A : i32 to index
      %swap3A_73 = arith.index_cast %mul3A_72 : i32 to index
      %swap3A_74 = tpu.vector_load %arg9[%swap3A, %swap3A_73] {strides = array<i32>} : memref<128x128xf32, #tpu.memory_space<vmem>>, vector<16xf32>,
      tpu.vector_store %arg9[%swap3A, %swap3A_73], %broadcast_in_dim3A_3 {strides = array<i32>} : memref<128x128xf32, #tpu.memory_space<vmem>>, vector<16xf32>,
    }
    %scan3A_8 = arith.constant 1024 : i32
    %mul3A_9 = arith.constant 640 : i32
    %mul3A_10 = arith.muli %arg1, %mul3A_9 : i32
    %add3A_11 = arith.constant 0 : i32
    %add3A_12 = arith.addi %mul3A_10, %add3A_11 : i32
    "tpu.region"() ({
      %run_scoped3A = tpu.sem_alloc : memref<!tpu.dma_semaphore, #tpu.memory_space<semaphore_mem>>
      %dma_start3A = arith.constant 0 : i32
      %dma_start3A_40 = tpu.memref_slice %arg10[%add3A_12, %dma_start3A] : memref<10240x128xf32, #tpu.memory_space<vmem_shared>> -> memref<128x128xf32, #tpu.memory_space<vmem_shared>>
      %dma_start3A_41 = arith.constant 0 : i32
      %dma_start3A_42 = tpu.memref_slice %arg10[%add3A_12, %dma_start3A_41] : memref<10240x128xf32, #tpu.memory_space<vmem_shared>> -> memref<128x128xf32, #tpu.memory_space<vmem_shared>>
      tpu.enqueue_dma source(%arg9 : memref<128x128xf32, #tpu.memory_space<vmem>>) target(%dma_start3A_42 : memref<128x128xf32, #tpu.memory_space<vmem_shared>>) target_semaphore(%run_scoped3A : memref<!tpu.dma_semaphore, #tpu.memory_space<semaphore_mem>>)
      %dma_wait3A = arith.constant 0 : i32
      %dma_wait3A_43 = tpu.memref_slice %arg10[%add3A_12, %dma_wait3A] : memref<10240x128xf32, #tpu.memory_space<vmem_shared>> -> memref<128x128xf32, #tpu.memory_space<vmem_shared>>
      %dma_wait3A_44 = arith.constant 0 : i32
      %dma_wait3A_45 = tpu.memref_slice %arg10[%add3A_12, %dma_wait3A_44] : memref<10240x128xf32, #tpu.memory_space<vmem_shared>> -> memref<128x128xf32, #tpu.memory_space<vmem_shared>>
      tpu.wait_dma2 semaphore(%run_scoped3A : memref<!tpu.dma_semaphore, #tpu.memory_space<semaphore_mem>>) src(%arg9 : memref<128x128xf32, #tpu.memory_space<vmem>>) dst(%dma_wait3A_45 : memref<128x128xf32, #tpu.memory_space<vmem_shared>>)
      tpu.yield
    }) : () -> ()
    %mul3A_13 = arith.constant 640 : i32
    %mul3A_14 = arith.muli %arg1, %mul3A_13 : i32
    %add3A_15 = arith.constant 128 : i32
    %add3A_16 = arith.addi %mul3A_14, %add3A_15 : i32
    "tpu.region"() ({
      %run_scoped3A = tpu.sem_alloc : memref<!tpu.dma_semaphore, #tpu.memory_space<semaphore_mem>>
      %dma_start3A = arith.constant 0 : i32
      %dma_start3A_40 = tpu.memref_slice %arg10[%add3A_16, %dma_start3A] : memref<10240x128xf32, #tpu.memory_space<vmem_shared>> -> memref<128x128xf32, #tpu.memory_space<vmem_shared>>
      %dma_start3A_41 = arith.constant 0 : i32
      %dma_start3A_42 = tpu.memref_slice %arg10[%add3A_16, %dma_start3A_41] : memref<10240x128xf32, #tpu.memory_space<vmem_shared>> -> memref<128x128xf32, #tpu.memory_space<vmem_shared>>
      tpu.enqueue_dma source(%arg9 : memref<128x128xf32, #tpu.memory_space<vmem>>) target(%dma_start3A_42 : memref<128x128xf32, #tpu.memory_space<vmem_shared>>) target_semaphore(%run_scoped3A : memref<!tpu.dma_semaphore, #tpu.memory_space<semaphore_mem>>)
      %dma_wait3A = arith.constant 0 : i32
      %dma_wait3A_43 = tpu.memref_slice %arg10[%add3A_16, %dma_wait3A] : memref<10240x128xf32, #tpu.memory_space<vmem_shared>> -> memref<128x128xf32, #tpu.memory_space<vmem_shared>>
      %dma_wait3A_44 = arith.constant 0 : i32
      %dma_wait3A_45 = tpu.memref_slice %arg10[%add3A_16, %dma_wait3A_44] : memref<10240x128xf32, #tpu.memory_space<vmem_shared>> -> memref<128x128xf32, #tpu.memory_space<vmem_shared>>
      tpu.wait_dma2 semaphore(%run_scoped3A : memref<!tpu.dma_semaphore, #tpu.memory_space<semaphore_mem>>) src(%arg9 : memref<128x128xf32, #tpu.memory_space<vmem>>) dst(%dma_wait3A_45 : memref<128x128xf32, #tpu.memory_space<vmem_shared>>)
      tpu.yield
    }) : () -> ()
    %mul3A_17 = arith.constant 640 : i32
    %mul3A_18 = arith.muli %arg1, %mul3A_17 : i32
    %add3A_19 = arith.constant 256 : i32
    %add3A_20 = arith.addi %mul3A_18, %add3A_19 : i32
    "tpu.region"() ({
      %run_scoped3A = tpu.sem_alloc : memref<!tpu.dma_semaphore, #tpu.memory_space<semaphore_mem>>
      %dma_start3A = arith.constant 0 : i32
      %dma_start3A_40 = tpu.memref_slice %arg10[%add3A_20, %dma_start3A] : memref<10240x128xf32, #tpu.memory_space<vmem_shared>> -> memref<128x128xf32, #tpu.memory_space<vmem_shared>>
      %dma_start3A_41 = arith.constant 0 : i32
      %dma_start3A_42 = tpu.memref_slice %arg10[%add3A_20, %dma_start3A_41] : memref<10240x128xf32, #tpu.memory_space<vmem_shared>> -> memref<128x128xf32, #tpu.memory_space<vmem_shared>>
      tpu.enqueue_dma source(%arg9 : memref<128x128xf32, #tpu.memory_space<vmem>>) target(%dma_start3A_42 : memref<128x128xf32, #tpu.memory_space<vmem_shared>>) target_semaphore(%run_scoped3A : memref<!tpu.dma_semaphore, #tpu.memory_space<semaphore_mem>>)
      %dma_wait3A = arith.constant 0 : i32
      %dma_wait3A_43 = tpu.memref_slice %arg10[%add3A_20, %dma_wait3A] : memref<10240x128xf32, #tpu.memory_space<vmem_shared>> -> memref<128x128xf32, #tpu.memory_space<vmem_shared>>
      %dma_wait3A_44 = arith.constant 0 : i32
      %dma_wait3A_45 = tpu.memref_slice %arg10[%add3A_20, %dma_wait3A_44] : memref<10240x128xf32, #tpu.memory_space<vmem_shared>> -> memref<128x128xf32, #tpu.memory_space<vmem_shared>>
      tpu.wait_dma2 semaphore(%run_scoped3A : memref<!tpu.dma_semaphore, #tpu.memory_space<semaphore_mem>>) src(%arg9 : memref<128x128xf32, #tpu.memory_space<vmem>>) dst(%dma_wait3A_45 : memref<128x128xf32, #tpu.memory_space<vmem_shared>>)
      tpu.yield
    }) : () -> ()
    %mul3A_21 = arith.constant 640 : i32
    %mul3A_22 = arith.muli %arg1, %mul3A_21 : i32
    %add3A_23 = arith.constant 384 : i32
    %add3A_24 = arith.addi %mul3A_22, %add3A_23 : i32
    "tpu.region"() ({
      %run_scoped3A = tpu.sem_alloc : memref<!tpu.dma_semaphore, #tpu.memory_space<semaphore_mem>>
      %dma_start3A = arith.constant 0 : i32
      %dma_start3A_40 = tpu.memref_slice %arg10[%add3A_24, %dma_start3A] : memref<10240x128xf32, #tpu.memory_space<vmem_shared>> -> memref<128x128xf32, #tpu.memory_space<vmem_shared>>
      %dma_start3A_41 = arith.constant 0 : i32
      %dma_start3A_42 = tpu.memref_slice %arg10[%add3A_24, %dma_start3A_41] : memref<10240x128xf32, #tpu.memory_space<vmem_shared>> -> memref<128x128xf32, #tpu.memory_space<vmem_shared>>
      tpu.enqueue_dma source(%arg9 : memref<128x128xf32, #tpu.memory_space<vmem>>) target(%dma_start3A_42 : memref<128x128xf32, #tpu.memory_space<vmem_shared>>) target_semaphore(%run_scoped3A : memref<!tpu.dma_semaphore, #tpu.memory_space<semaphore_mem>>)
      %dma_wait3A = arith.constant 0 : i32
      %dma_wait3A_43 = tpu.memref_slice %arg10[%add3A_24, %dma_wait3A] : memref<10240x128xf32, #tpu.memory_space<vmem_shared>> -> memref<128x128xf32, #tpu.memory_space<vmem_shared>>
      %dma_wait3A_44 = arith.constant 0 : i32
      %dma_wait3A_45 = tpu.memref_slice %arg10[%add3A_24, %dma_wait3A_44] : memref<10240x128xf32, #tpu.memory_space<vmem_shared>> -> memref<128x128xf32, #tpu.memory_space<vmem_shared>>
      tpu.wait_dma2 semaphore(%run_scoped3A : memref<!tpu.dma_semaphore, #tpu.memory_space<semaphore_mem>>) src(%arg9 : memref<128x128xf32, #tpu.memory_space<vmem>>) dst(%dma_wait3A_45 : memref<128x128xf32, #tpu.memory_space<vmem_shared>>)
      tpu.yield
    }) : () -> ()
    %mul3A_25 = arith.constant 640 : i32
    %mul3A_26 = arith.muli %arg1, %mul3A_25 : i32
    %add3A_27 = arith.constant 512 : i32
    %add3A_28 = arith.addi %mul3A_26, %add3A_27 : i32
    "tpu.region"() ({
      %run_scoped3A = tpu.sem_alloc : memref<!tpu.dma_semaphore, #tpu.memory_space<semaphore_mem>>
      %dma_start3A = arith.constant 0 : i32
      %dma_start3A_40 = tpu.memref_slice %arg10[%add3A_28, %dma_start3A] : memref<10240x128xf32, #tpu.memory_space<vmem_shared>> -> memref<128x128xf32, #tpu.memory_space<vmem_shared>>
      %dma_start3A_41 = arith.constant 0 : i32
      %dma_start3A_42 = tpu.memref_slice %arg10[%add3A_28, %dma_start3A_41] : memref<10240x128xf32, #tpu.memory_space<vmem_shared>> -> memref<128x128xf32, #tpu.memory_space<vmem_shared>>
      tpu.enqueue_dma source(%arg9 : memref<128x128xf32, #tpu.memory_space<vmem>>) target(%dma_start3A_42 : memref<128x128xf32, #tpu.memory_space<vmem_shared>>) target_semaphore(%run_scoped3A : memref<!tpu.dma_semaphore, #tpu.memory_space<semaphore_mem>>)
      %dma_wait3A = arith.constant 0 : i32
      %dma_wait3A_43 = tpu.memref_slice %arg10[%add3A_28, %dma_wait3A] : memref<10240x128xf32, #tpu.memory_space<vmem_shared>> -> memref<128x128xf32, #tpu.memory_space<vmem_shared>>
      %dma_wait3A_44 = arith.constant 0 : i32
      %dma_wait3A_45 = tpu.memref_slice %arg10[%add3A_28, %dma_wait3A_44] : memref<10240x128xf32, #tpu.memory_space<vmem_shared>> -> memref<128x128xf32, #tpu.memory_space<vmem_shared>>
      tpu.wait_dma2 semaphore(%run_scoped3A : memref<!tpu.dma_semaphore, #tpu.memory_space<semaphore_mem>>) src(%arg9 : memref<128x128xf32, #tpu.memory_space<vmem>>) dst(%dma_wait3A_45 : memref<128x128xf32, #tpu.memory_space<vmem_shared>>)
      tpu.yield
    }) : () -> ()
    %barrier3A = arith.constant 0 : index
    tpu.barrier barrier_id(%barrier3A)
    %scan3A_29 = arith.constant 0 : i32
    %scan3A_30 = arith.constant 0 : i32
    %scan3A_31 = arith.constant 79 : i32
    %scan3A_32 = arith.addi %scan3A_30, %scan3A_31 : i32
    %scan3A_33 = arith.constant 1 : i32
    scf.for %scan3A_40 = %scan3A_30 to %scan3A_32 step %scan3A_33  : i32 {
      %mul3A_41 = arith.constant 128 : i32
      %mul3A_42 = arith.muli %scan3A_40, %mul3A_41 : i32
      %add3A_43 = arith.addi %mul3A_2, %mul3A_42 : i32
      %run_scoped3A = arith.constant 0 : i32
      "tpu.region"() ({
        %run_scoped3A_50 = tpu.sem_alloc : memref<!tpu.dma_semaphore, #tpu.memory_space<semaphore_mem>>
        %dma_start3A = arith.constant 0 : i32
        %dma_start3A_51 = tpu.memref_slice %arg6[%run_scoped3A, %dma_start3A] : memref<1x128xi32, #tpu.memory_space<vmem>> -> memref<1x128xi32, #tpu.memory_space<vmem>>
        %dma_start3A_52 = tpu.memref_squeeze %dma_start3A_51 : memref<1x128xi32, #tpu.memory_space<vmem>> -> memref<128xi32, #tpu.memory_space<vmem>>
        %dma_start3A_53 = tpu.memref_slice %arg3[%add3A_43] : memref<323584xi32, #tpu.memory_space<hbm>> -> memref<128xi32, #tpu.memory_space<hbm>>
        %dma_start3A_54 = arith.constant 0 : i32
        %dma_start3A_55 = tpu.memref_slice %arg6[%run_scoped3A, %dma_start3A_54] : memref<1x128xi32, #tpu.memory_space<vmem>> -> memref<1x128xi32, #tpu.memory_space<vmem>>
        %dma_start3A_56 = tpu.memref_squeeze %dma_start3A_55 : memref<1x128xi32, #tpu.memory_space<vmem>> -> memref<128xi32, #tpu.memory_space<vmem>>
        %dma_start3A_57 = tpu.memref_slice %arg3[%add3A_43] : memref<323584xi32, #tpu.memory_space<hbm>> -> memref<128xi32, #tpu.memory_space<hbm>>
        tpu.enqueue_dma source(%dma_start3A_57 : memref<128xi32, #tpu.memory_space<hbm>>) target(%dma_start3A_56 : memref<128xi32, #tpu.memory_space<vmem>>) target_semaphore(%run_scoped3A_50 : memref<!tpu.dma_semaphore, #tpu.memory_space<semaphore_mem>>)
        %dma_wait3A = arith.constant 0 : i32
        %dma_wait3A_58 = tpu.memref_slice %arg6[%run_scoped3A, %dma_wait3A] : memref<1x128xi32, #tpu.memory_space<vmem>> -> memref<1x128xi32, #tpu.memory_space<vmem>>
        %dma_wait3A_59 = tpu.memref_squeeze %dma_wait3A_58 : memref<1x128xi32, #tpu.memory_space<vmem>> -> memref<128xi32, #tpu.memory_space<vmem>>
        %dma_wait3A_60 = tpu.memref_slice %arg3[%add3A_43] : memref<323584xi32, #tpu.memory_space<hbm>> -> memref<128xi32, #tpu.memory_space<hbm>>
        %dma_wait3A_61 = arith.constant 0 : i32
        %dma_wait3A_62 = tpu.memref_slice %arg6[%run_scoped3A, %dma_wait3A_61] : memref<1x128xi32, #tpu.memory_space<vmem>> -> memref<1x128xi32, #tpu.memory_space<vmem>>
        %dma_wait3A_63 = tpu.memref_squeeze %dma_wait3A_62 : memref<1x128xi32, #tpu.memory_space<vmem>> -> memref<128xi32, #tpu.memory_space<vmem>>
        %dma_wait3A_64 = tpu.memref_slice %arg3[%add3A_43] : memref<323584xi32, #tpu.memory_space<hbm>> -> memref<128xi32, #tpu.memory_space<hbm>>
        tpu.wait_dma2 semaphore(%run_scoped3A_50 : memref<!tpu.dma_semaphore, #tpu.memory_space<semaphore_mem>>) src(%dma_wait3A_64 : memref<128xi32, #tpu.memory_space<hbm>>) dst(%dma_wait3A_63 : memref<128xi32, #tpu.memory_space<vmem>>)
        tpu.yield
      }) : () -> ()
      %mul3A_44 = arith.constant 128 : i32
      %mul3A_45 = arith.muli %scan3A_40, %mul3A_44 : i32
      %add3A_46 = arith.addi %mul3A_2, %mul3A_45 : i32
      %run_scoped3A_47 = arith.constant 0 : i32
      "tpu.region"() ({
        %run_scoped3A_50 = tpu.sem_alloc : memref<!tpu.dma_semaphore, #tpu.memory_space<semaphore_mem>>
        %dma_start3A = arith.constant 0 : i32
        %dma_start3A_51 = tpu.memref_slice %arg7[%run_scoped3A_47, %dma_start3A] : memref<1x128xi32, #tpu.memory_space<vmem>> -> memref<1x128xi32, #tpu.memory_space<vmem>>
        %dma_start3A_52 = tpu.memref_squeeze %dma_start3A_51 : memref<1x128xi32, #tpu.memory_space<vmem>> -> memref<128xi32, #tpu.memory_space<vmem>>
        %dma_start3A_53 = tpu.memref_slice %arg4[%add3A_46] : memref<323584xi32, #tpu.memory_space<hbm>> -> memref<128xi32, #tpu.memory_space<hbm>>
        %dma_start3A_54 = arith.constant 0 : i32
        %dma_start3A_55 = tpu.memref_slice %arg7[%run_scoped3A_47, %dma_start3A_54] : memref<1x128xi32, #tpu.memory_space<vmem>> -> memref<1x128xi32, #tpu.memory_space<vmem>>
        %dma_start3A_56 = tpu.memref_squeeze %dma_start3A_55 : memref<1x128xi32, #tpu.memory_space<vmem>> -> memref<128xi32, #tpu.memory_space<vmem>>
        %dma_start3A_57 = tpu.memref_slice %arg4[%add3A_46] : memref<323584xi32, #tpu.memory_space<hbm>> -> memref<128xi32, #tpu.memory_space<hbm>>
        tpu.enqueue_dma source(%dma_start3A_57 : memref<128xi32, #tpu.memory_space<hbm>>) target(%dma_start3A_56 : memref<128xi32, #tpu.memory_space<vmem>>) target_semaphore(%run_scoped3A_50 : memref<!tpu.dma_semaphore, #tpu.memory_space<semaphore_mem>>)
        %dma_wait3A = arith.constant 0 : i32
        %dma_wait3A_58 = tpu.memref_slice %arg7[%run_scoped3A_47, %dma_wait3A] : memref<1x128xi32, #tpu.memory_space<vmem>> -> memref<1x128xi32, #tpu.memory_space<vmem>>
        %dma_wait3A_59 = tpu.memref_squeeze %dma_wait3A_58 : memref<1x128xi32, #tpu.memory_space<vmem>> -> memref<128xi32, #tpu.memory_space<vmem>>
        %dma_wait3A_60 = tpu.memref_slice %arg4[%add3A_46] : memref<323584xi32, #tpu.memory_space<hbm>> -> memref<128xi32, #tpu.memory_space<hbm>>
        %dma_wait3A_61 = arith.constant 0 : i32
        %dma_wait3A_62 = tpu.memref_slice %arg7[%run_scoped3A_47, %dma_wait3A_61] : memref<1x128xi32, #tpu.memory_space<vmem>> -> memref<1x128xi32, #tpu.memory_space<vmem>>
        %dma_wait3A_63 = tpu.memref_squeeze %dma_wait3A_62 : memref<1x128xi32, #tpu.memory_space<vmem>> -> memref<128xi32, #tpu.memory_space<vmem>>
        %dma_wait3A_64 = tpu.memref_slice %arg4[%add3A_46] : memref<323584xi32, #tpu.memory_space<hbm>> -> memref<128xi32, #tpu.memory_space<hbm>>
        tpu.wait_dma2 semaphore(%run_scoped3A_50 : memref<!tpu.dma_semaphore, #tpu.memory_space<semaphore_mem>>) src(%dma_wait3A_64 : memref<128xi32, #tpu.memory_space<hbm>>) dst(%dma_wait3A_63 : memref<128xi32, #tpu.memory_space<vmem>>)
        tpu.yield
      }) : () -> ()
      %run_scoped3A_48 = arith.constant 0 : i32
      "tpu.region"() ({
        %run_scoped3A_50 = tpu.sem_alloc : memref<!tpu.dma_semaphore, #tpu.memory_space<semaphore_mem>>
        %dma_start3A = arith.constant 0 : i32
        %dma_start3A_51 = tpu.memref_slice %arg6[%run_scoped3A_48, %dma_start3A] : memref<1x128xi32, #tpu.memory_space<vmem>> -> memref<1x128xi32, #tpu.memory_space<vmem>>
        %dma_start3A_52 = tpu.memref_squeeze %dma_start3A_51 : memref<1x128xi32, #tpu.memory_space<vmem>> -> memref<128xi32, #tpu.memory_space<vmem>>
        %dma_start3A_53 = arith.constant 0 : i32
        %dma_start3A_54 = arith.constant 0 : i32
        %dma_start3A_55 = tpu.memref_slice %arg2[%dma_start3A_53, %dma_start3A_54] : memref<10240x128xf32, #tpu.memory_space<hbm>> -> memref<10240x128xf32, #tpu.memory_space<hbm>>
        tpu.enqueue_indirect_dma source(%dma_start3A_55 : memref<10240x128xf32, #tpu.memory_space<hbm>>) target(%arg8 : memref<128x128xf32, #tpu.memory_space<vmem>>) offsets(%dma_start3A_52 : memref<128xi32, #tpu.memory_space<vmem>>) semaphore(%run_scoped3A_50 : memref<!tpu.dma_semaphore, #tpu.memory_space<semaphore_mem>>)
        %dma_wait3A = arith.constant 0 : i32
        %dma_wait3A_56 = tpu.memref_slice %arg6[%run_scoped3A_48, %dma_wait3A] : memref<1x128xi32, #tpu.memory_space<vmem>> -> memref<1x128xi32, #tpu.memory_space<vmem>>
        %dma_wait3A_57 = tpu.memref_squeeze %dma_wait3A_56 : memref<1x128xi32, #tpu.memory_space<vmem>> -> memref<128xi32, #tpu.memory_space<vmem>>
        %dma_wait3A_58 = arith.constant 0 : i32
        %dma_wait3A_59 = arith.constant 0 : i32
        %dma_wait3A_60 = tpu.memref_slice %arg2[%dma_wait3A_58, %dma_wait3A_59] : memref<10240x128xf32, #tpu.memory_space<hbm>> -> memref<10240x128xf32, #tpu.memory_space<hbm>>
        tpu.wait_indirect_dma semaphore(%run_scoped3A_50 : memref<!tpu.dma_semaphore, #tpu.memory_space<semaphore_mem>>) src(%dma_wait3A_60 : memref<10240x128xf32, #tpu.memory_space<hbm>>) dst(%arg8 : memref<128x128xf32, #tpu.memory_space<vmem>>)
        tpu.yield
      }) : () -> ()
      %run_scoped3A_49 = arith.constant 0 : i32
      "tpu.region"() ({
        %run_scoped3A_50 = tpu.sem_alloc : memref<!tpu.dma_semaphore, #tpu.memory_space<semaphore_mem>>
        %dma_start3A = arith.constant 0 : i32
        %dma_start3A_51 = tpu.memref_slice %arg7[%run_scoped3A_49, %dma_start3A] : memref<1x128xi32, #tpu.memory_space<vmem>> -> memref<1x128xi32, #tpu.memory_space<vmem>>
        %dma_start3A_52 = tpu.memref_squeeze %dma_start3A_51 : memref<1x128xi32, #tpu.memory_space<vmem>> -> memref<128xi32, #tpu.memory_space<vmem>>
        %dma_start3A_53 = arith.constant 0 : i32
        %dma_start3A_54 = arith.constant 0 : i32
        %dma_start3A_55 = tpu.memref_slice %arg10[%dma_start3A_53, %dma_start3A_54] : memref<10240x128xf32, #tpu.memory_space<vmem_shared>> -> memref<10240x128xf32, #tpu.memory_space<vmem_shared>>
        tpu.enqueue_indirect_dma source(%arg8 : memref<128x128xf32, #tpu.memory_space<vmem>>) target(%dma_start3A_55 : memref<10240x128xf32, #tpu.memory_space<vmem_shared>>) offsets(%dma_start3A_52 : memref<128xi32, #tpu.memory_space<vmem>>) semaphore(%run_scoped3A_50 : memref<!tpu.dma_semaphore, #tpu.memory_space<semaphore_mem>>) {add = true}
        %dma_wait3A = arith.constant 0 : i32
        %dma_wait3A_56 = tpu.memref_slice %arg7[%run_scoped3A_49, %dma_wait3A] : memref<1x128xi32, #tpu.memory_space<vmem>> -> memref<1x128xi32, #tpu.memory_space<vmem>>
        %dma_wait3A_57 = tpu.memref_squeeze %dma_wait3A_56 : memref<1x128xi32, #tpu.memory_space<vmem>> -> memref<128xi32, #tpu.memory_space<vmem>>
        %dma_wait3A_58 = arith.constant 0 : i32
        %dma_wait3A_59 = arith.constant 0 : i32
        %dma_wait3A_60 = tpu.memref_slice %arg10[%dma_wait3A_58, %dma_wait3A_59] : memref<10240x128xf32, #tpu.memory_space<vmem_shared>> -> memref<10240x128xf32, #tpu.memory_space<vmem_shared>>
        tpu.wait_indirect_dma semaphore(%run_scoped3A_50 : memref<!tpu.dma_semaphore, #tpu.memory_space<semaphore_mem>>) src(%arg8 : memref<128x128xf32, #tpu.memory_space<vmem>>) dst(%dma_wait3A_60 : memref<10240x128xf32, #tpu.memory_space<vmem_shared>>)
        tpu.yield
      }) : () -> ()
    }
    %scan3A_34 = arith.constant 79 : i32
    %barrier3A_35 = arith.constant 0 : index
    tpu.barrier barrier_id(%barrier3A_35)
    %mul3A_36 = arith.constant 640 : i32
    %mul3A_37 = arith.muli %arg1, %mul3A_36 : i32
    %mul3A_38 = arith.constant 640 : i32
    %mul3A_39 = arith.muli %arg1, %mul3A_38 : i32
    "tpu.region"() ({
      %run_scoped3A = tpu.sem_alloc : memref<!tpu.dma_semaphore, #tpu.memory_space<semaphore_mem>>
      %dma_start3A = arith.constant 0 : i32
      %dma_start3A_40 = tpu.memref_slice %arg5[%arg0, %mul3A_39, %dma_start3A] : memref<2x10240x128xf32, #tpu.memory_space<hbm>> -> memref<1x640x128xf32, #tpu.memory_space<hbm>>
      %dma_start3A_41 = tpu.memref_squeeze %dma_start3A_40 : memref<1x640x128xf32, #tpu.memory_space<hbm>> -> memref<640x128xf32, #tpu.memory_space<hbm>>
      %dma_start3A_42 = arith.constant 0 : i32
      %dma_start3A_43 = tpu.memref_slice %arg10[%mul3A_37, %dma_start3A_42] : memref<10240x128xf32, #tpu.memory_space<vmem_shared>> -> memref<640x128xf32, #tpu.memory_space<vmem_shared>>
      tpu.enqueue_dma source(%dma_start3A_43 : memref<640x128xf32, #tpu.memory_space<vmem_shared>>) target(%dma_start3A_41 : memref<640x128xf32, #tpu.memory_space<hbm>>) target_semaphore(%run_scoped3A : memref<!tpu.dma_semaphore, #tpu.memory_space<semaphore_mem>>)
      %dma_wait3A = arith.constant 0 : i32
      %dma_wait3A_44 = tpu.memref_slice %arg5[%arg0, %mul3A_39, %dma_wait3A] : memref<2x10240x128xf32, #tpu.memory_space<hbm>> -> memref<1x640x128xf32, #tpu.memory_space<hbm>>
      %dma_wait3A_45 = tpu.memref_squeeze %dma_wait3A_44 : memref<1x640x128xf32, #tpu.memory_space<hbm>> -> memref<640x128xf32, #tpu.memory_space<hbm>>
      %dma_wait3A_46 = arith.constant 0 : i32
      %dma_wait3A_47 = tpu.memref_slice %arg10[%mul3A_37, %dma_wait3A_46] : memref<10240x128xf32, #tpu.memory_space<vmem_shared>> -> memref<640x128xf32, #tpu.memory_space<vmem_shared>>
      tpu.wait_dma2 semaphore(%run_scoped3A : memref<!tpu.dma_semaphore, #tpu.memory_space<semaphore_mem>>) src(%dma_wait3A_47 : memref<640x128xf32, #tpu.memory_space<vmem_shared>>) dst(%dma_wait3A_45 : memref<640x128xf32, #tpu.memory_space<hbm>>)
      tpu.yield
    }) : () -> ()
    return
  }
}

#map = affine_map<(d0, d1) -> (0, 0)>
#map1 = affine_map<(d0, d1) -> (0)>
#map2 = affine_map<(d0, d1) -> (0, 0, 0)>
module attributes {stable_mosaic.version = 14 : i64} {
  func.func @_agg_body(%arg0: i32, %arg1: i32, %arg2: memref<10240x128xf32, #tpu.memory_space<hbm>>, %arg3: memref<323584xi32, #tpu.memory_space<hbm>>, %arg4: memref<323584xi32, #tpu.memory_space<hbm>>, %arg5: memref<2x10240x128xf32, #tpu.memory_space<hbm>>, %arg6: memref<1x128xi32, #tpu.memory_space<vmem>>, %arg7: memref<1x128xi32, #tpu.memory_space<vmem>>, %arg8: memref<128x128xf32, #tpu.memory_space<vmem>>, %arg9: memref<128x128xf32, #tpu.memory_space<vmem>>, %arg10: memref<10240x128xf32, #tpu.memory_space<vmem_shared>>) attributes {dimension_semantics = [#tpu.dimension_semantics<core_parallel>, #tpu.dimension_semantics<subcore_parallel>], iteration_bounds = array<i64: 2, 16>, scalar_prefetch = 0 : i64, scratch_operands = 5 : i64, tpu.core_type = #tpu.core_type<sc_vector_subcore>, window_params = [{transform_indices = #map}, {transform_indices = #map1}, {transform_indices = #map1}, {transform_indices = #map2}]} {
    %mul3A = arith.constant 16 : i32
    %mul3A_0 = arith.muli %arg0, %mul3A : i32
    %add3A = arith.addi %mul3A_0, %arg1 : i32
    %mul3A_1 = arith.constant 10112 : i32
    %mul3A_2 = arith.muli %add3A, %mul3A_1 : i32
    %broadcast_in_dim3A = arith.constant 0.000000e+00 : f32
    %broadcast_in_dim3A_3 = vector.broadcast %broadcast_in_dim3A : f32 to vector<16xf32>
    %scan3A = arith.constant 0 : i32
    %scan3A_4 = arith.constant 0 : i32
    %scan3A_5 = arith.constant 1024 : i32
    %scan3A_6 = arith.addi %scan3A_4, %scan3A_5 : i32
    %scan3A_7 = arith.constant 1 : i32
    scf.for %scan3A_40 = %scan3A_4 to %scan3A_6 step %scan3A_7  : i32 {
      %jit3A = arith.constant 8 : i32
      %div3A = arith.divsi %scan3A_40, %jit3A : i32
      %sign3A = arith.constant 0 : i32
      %sign3A_41 = arith.cmpi sgt, %scan3A_40, %sign3A : i32
      %sign3A_42 = arith.extui %sign3A_41 : i1 to i32
      %sign3A_43 = arith.constant 0 : i32
      %sign3A_44 = arith.cmpi slt, %scan3A_40, %sign3A_43 : i32
      %sign3A_45 = arith.extui %sign3A_44 : i1 to i32
      %sign3A_46 = arith.subi %sign3A_42, %sign3A_45 : i32
      %sign3A_47 = arith.constant 0 : i32
      %sign3A_48 = arith.cmpi sgt, %jit3A, %sign3A_47 : i32
      %sign3A_49 = arith.extui %sign3A_48 : i1 to i32
      %sign3A_50 = arith.constant 0 : i32
      %sign3A_51 = arith.cmpi slt, %jit3A, %sign3A_50 : i32
      %sign3A_52 = arith.extui %sign3A_51 : i1 to i32
      %sign3A_53 = arith.subi %sign3A_49, %sign3A_52 : i32
      %ne3A = arith.cmpi ne, %sign3A_46, %sign3A_53 : i32
      %rem3A = arith.remsi %scan3A_40, %jit3A : i32
      %ne3A_54 = arith.constant 0 : i32
      %ne3A_55 = arith.cmpi ne, %rem3A, %ne3A_54 : i32
      %and3A = arith.andi %ne3A, %ne3A_55 : i1
      %sub3A = arith.constant 1 : i32
      %sub3A_56 = arith.subi %div3A, %sub3A : i32
      %select_n3A = arith.select %and3A, %sub3A_56, %div3A : i32
      %jit3A_57 = arith.constant 8 : i32
      %eq3A = arith.constant 0 : i32
      %eq3A_58 = arith.cmpi eq, %jit3A_57, %eq3A : i32
      %jit3A_59 = arith.constant 1 : i32
      %select_n3A_60 = arith.select %eq3A_58, %jit3A_59, %jit3A_57 : i32
      %rem3A_61 = arith.remsi %scan3A_40, %select_n3A_60 : i32
      %ne3A_62 = arith.constant 0 : i32
      %ne3A_63 = arith.cmpi ne, %rem3A_61, %ne3A_62 : i32
      %lt3A = arith.constant 0 : i32
      %lt3A_64 = arith.cmpi slt, %rem3A_61, %lt3A : i32
      %lt3A_65 = arith.constant 0 : i32
      %lt3A_66 = arith.cmpi slt, %select_n3A_60, %lt3A_65 : i32
      %ne3A_67 = arith.xori %lt3A_64, %lt3A_66 : i1
      %and3A_68 = arith.andi %ne3A_67, %ne3A_63 : i1
      %add3A_69 = arith.addi %rem3A_61, %select_n3A_60 : i32
      %select_n3A_70 = arith.select %and3A_68, %add3A_69, %rem3A_61 : i32
      %mul3A_71 = arith.constant 16 : i32
      %mul3A_72 = arith.muli %select_n3A_70, %mul3A_71 : i32
      %swap3A = arith.index_cast %select_n3A : i32 to index
      %swap3A_73 = arith.index_cast %mul3A_72 : i32 to index
      %swap3A_74 = tpu.vector_load %arg9[%swap3A, %swap3A_73] {strides = array<i32>} : memref<128x128xf32, #tpu.memory_space<vmem>>, vector<16xf32>,
      tpu.vector_store %arg9[%swap3A, %swap3A_73], %broadcast_in_dim3A_3 {strides = array<i32>} : memref<128x128xf32, #tpu.memory_space<vmem>>, vector<16xf32>,
    }
    %scan3A_8 = arith.constant 1024 : i32
    %mul3A_9 = arith.constant 640 : i32
    %mul3A_10 = arith.muli %arg1, %mul3A_9 : i32
    %add3A_11 = arith.constant 0 : i32
    %add3A_12 = arith.addi %mul3A_10, %add3A_11 : i32
    "tpu.region"() ({
      %run_scoped3A = tpu.sem_alloc : memref<!tpu.dma_semaphore, #tpu.memory_space<semaphore_mem>>
      %dma_start3A = arith.constant 0 : i32
      %dma_start3A_40 = tpu.memref_slice %arg10[%add3A_12, %dma_start3A] : memref<10240x128xf32, #tpu.memory_space<vmem_shared>> -> memref<128x128xf32, #tpu.memory_space<vmem_shared>>
      %dma_start3A_41 = arith.constant 0 : i32
      %dma_start3A_42 = tpu.memref_slice %arg10[%add3A_12, %dma_start3A_41] : memref<10240x128xf32, #tpu.memory_space<vmem_shared>> -> memref<128x128xf32, #tpu.memory_space<vmem_shared>>
      tpu.enqueue_dma source(%arg9 : memref<128x128xf32, #tpu.memory_space<vmem>>) target(%dma_start3A_42 : memref<128x128xf32, #tpu.memory_space<vmem_shared>>) target_semaphore(%run_scoped3A : memref<!tpu.dma_semaphore, #tpu.memory_space<semaphore_mem>>)
      %dma_wait3A = arith.constant 0 : i32
      %dma_wait3A_43 = tpu.memref_slice %arg10[%add3A_12, %dma_wait3A] : memref<10240x128xf32, #tpu.memory_space<vmem_shared>> -> memref<128x128xf32, #tpu.memory_space<vmem_shared>>
      %dma_wait3A_44 = arith.constant 0 : i32
      %dma_wait3A_45 = tpu.memref_slice %arg10[%add3A_12, %dma_wait3A_44] : memref<10240x128xf32, #tpu.memory_space<vmem_shared>> -> memref<128x128xf32, #tpu.memory_space<vmem_shared>>
      tpu.wait_dma2 semaphore(%run_scoped3A : memref<!tpu.dma_semaphore, #tpu.memory_space<semaphore_mem>>) src(%arg9 : memref<128x128xf32, #tpu.memory_space<vmem>>) dst(%dma_wait3A_45 : memref<128x128xf32, #tpu.memory_space<vmem_shared>>)
      tpu.yield
    }) : () -> ()
    %mul3A_13 = arith.constant 640 : i32
    %mul3A_14 = arith.muli %arg1, %mul3A_13 : i32
    %add3A_15 = arith.constant 128 : i32
    %add3A_16 = arith.addi %mul3A_14, %add3A_15 : i32
    "tpu.region"() ({
      %run_scoped3A = tpu.sem_alloc : memref<!tpu.dma_semaphore, #tpu.memory_space<semaphore_mem>>
      %dma_start3A = arith.constant 0 : i32
      %dma_start3A_40 = tpu.memref_slice %arg10[%add3A_16, %dma_start3A] : memref<10240x128xf32, #tpu.memory_space<vmem_shared>> -> memref<128x128xf32, #tpu.memory_space<vmem_shared>>
      %dma_start3A_41 = arith.constant 0 : i32
      %dma_start3A_42 = tpu.memref_slice %arg10[%add3A_16, %dma_start3A_41] : memref<10240x128xf32, #tpu.memory_space<vmem_shared>> -> memref<128x128xf32, #tpu.memory_space<vmem_shared>>
      tpu.enqueue_dma source(%arg9 : memref<128x128xf32, #tpu.memory_space<vmem>>) target(%dma_start3A_42 : memref<128x128xf32, #tpu.memory_space<vmem_shared>>) target_semaphore(%run_scoped3A : memref<!tpu.dma_semaphore, #tpu.memory_space<semaphore_mem>>)
      %dma_wait3A = arith.constant 0 : i32
      %dma_wait3A_43 = tpu.memref_slice %arg10[%add3A_16, %dma_wait3A] : memref<10240x128xf32, #tpu.memory_space<vmem_shared>> -> memref<128x128xf32, #tpu.memory_space<vmem_shared>>
      %dma_wait3A_44 = arith.constant 0 : i32
      %dma_wait3A_45 = tpu.memref_slice %arg10[%add3A_16, %dma_wait3A_44] : memref<10240x128xf32, #tpu.memory_space<vmem_shared>> -> memref<128x128xf32, #tpu.memory_space<vmem_shared>>
      tpu.wait_dma2 semaphore(%run_scoped3A : memref<!tpu.dma_semaphore, #tpu.memory_space<semaphore_mem>>) src(%arg9 : memref<128x128xf32, #tpu.memory_space<vmem>>) dst(%dma_wait3A_45 : memref<128x128xf32, #tpu.memory_space<vmem_shared>>)
      tpu.yield
    }) : () -> ()
    %mul3A_17 = arith.constant 640 : i32
    %mul3A_18 = arith.muli %arg1, %mul3A_17 : i32
    %add3A_19 = arith.constant 256 : i32
    %add3A_20 = arith.addi %mul3A_18, %add3A_19 : i32
    "tpu.region"() ({
      %run_scoped3A = tpu.sem_alloc : memref<!tpu.dma_semaphore, #tpu.memory_space<semaphore_mem>>
      %dma_start3A = arith.constant 0 : i32
      %dma_start3A_40 = tpu.memref_slice %arg10[%add3A_20, %dma_start3A] : memref<10240x128xf32, #tpu.memory_space<vmem_shared>> -> memref<128x128xf32, #tpu.memory_space<vmem_shared>>
      %dma_start3A_41 = arith.constant 0 : i32
      %dma_start3A_42 = tpu.memref_slice %arg10[%add3A_20, %dma_start3A_41] : memref<10240x128xf32, #tpu.memory_space<vmem_shared>> -> memref<128x128xf32, #tpu.memory_space<vmem_shared>>
      tpu.enqueue_dma source(%arg9 : memref<128x128xf32, #tpu.memory_space<vmem>>) target(%dma_start3A_42 : memref<128x128xf32, #tpu.memory_space<vmem_shared>>) target_semaphore(%run_scoped3A : memref<!tpu.dma_semaphore, #tpu.memory_space<semaphore_mem>>)
      %dma_wait3A = arith.constant 0 : i32
      %dma_wait3A_43 = tpu.memref_slice %arg10[%add3A_20, %dma_wait3A] : memref<10240x128xf32, #tpu.memory_space<vmem_shared>> -> memref<128x128xf32, #tpu.memory_space<vmem_shared>>
      %dma_wait3A_44 = arith.constant 0 : i32
      %dma_wait3A_45 = tpu.memref_slice %arg10[%add3A_20, %dma_wait3A_44] : memref<10240x128xf32, #tpu.memory_space<vmem_shared>> -> memref<128x128xf32, #tpu.memory_space<vmem_shared>>
      tpu.wait_dma2 semaphore(%run_scoped3A : memref<!tpu.dma_semaphore, #tpu.memory_space<semaphore_mem>>) src(%arg9 : memref<128x128xf32, #tpu.memory_space<vmem>>) dst(%dma_wait3A_45 : memref<128x128xf32, #tpu.memory_space<vmem_shared>>)
      tpu.yield
    }) : () -> ()
    %mul3A_21 = arith.constant 640 : i32
    %mul3A_22 = arith.muli %arg1, %mul3A_21 : i32
    %add3A_23 = arith.constant 384 : i32
    %add3A_24 = arith.addi %mul3A_22, %add3A_23 : i32
    "tpu.region"() ({
      %run_scoped3A = tpu.sem_alloc : memref<!tpu.dma_semaphore, #tpu.memory_space<semaphore_mem>>
      %dma_start3A = arith.constant 0 : i32
      %dma_start3A_40 = tpu.memref_slice %arg10[%add3A_24, %dma_start3A] : memref<10240x128xf32, #tpu.memory_space<vmem_shared>> -> memref<128x128xf32, #tpu.memory_space<vmem_shared>>
      %dma_start3A_41 = arith.constant 0 : i32
      %dma_start3A_42 = tpu.memref_slice %arg10[%add3A_24, %dma_start3A_41] : memref<10240x128xf32, #tpu.memory_space<vmem_shared>> -> memref<128x128xf32, #tpu.memory_space<vmem_shared>>
      tpu.enqueue_dma source(%arg9 : memref<128x128xf32, #tpu.memory_space<vmem>>) target(%dma_start3A_42 : memref<128x128xf32, #tpu.memory_space<vmem_shared>>) target_semaphore(%run_scoped3A : memref<!tpu.dma_semaphore, #tpu.memory_space<semaphore_mem>>)
      %dma_wait3A = arith.constant 0 : i32
      %dma_wait3A_43 = tpu.memref_slice %arg10[%add3A_24, %dma_wait3A] : memref<10240x128xf32, #tpu.memory_space<vmem_shared>> -> memref<128x128xf32, #tpu.memory_space<vmem_shared>>
      %dma_wait3A_44 = arith.constant 0 : i32
      %dma_wait3A_45 = tpu.memref_slice %arg10[%add3A_24, %dma_wait3A_44] : memref<10240x128xf32, #tpu.memory_space<vmem_shared>> -> memref<128x128xf32, #tpu.memory_space<vmem_shared>>
      tpu.wait_dma2 semaphore(%run_scoped3A : memref<!tpu.dma_semaphore, #tpu.memory_space<semaphore_mem>>) src(%arg9 : memref<128x128xf32, #tpu.memory_space<vmem>>) dst(%dma_wait3A_45 : memref<128x128xf32, #tpu.memory_space<vmem_shared>>)
      tpu.yield
    }) : () -> ()
    %mul3A_25 = arith.constant 640 : i32
    %mul3A_26 = arith.muli %arg1, %mul3A_25 : i32
    %add3A_27 = arith.constant 512 : i32
    %add3A_28 = arith.addi %mul3A_26, %add3A_27 : i32
    "tpu.region"() ({
      %run_scoped3A = tpu.sem_alloc : memref<!tpu.dma_semaphore, #tpu.memory_space<semaphore_mem>>
      %dma_start3A = arith.constant 0 : i32
      %dma_start3A_40 = tpu.memref_slice %arg10[%add3A_28, %dma_start3A] : memref<10240x128xf32, #tpu.memory_space<vmem_shared>> -> memref<128x128xf32, #tpu.memory_space<vmem_shared>>
      %dma_start3A_41 = arith.constant 0 : i32
      %dma_start3A_42 = tpu.memref_slice %arg10[%add3A_28, %dma_start3A_41] : memref<10240x128xf32, #tpu.memory_space<vmem_shared>> -> memref<128x128xf32, #tpu.memory_space<vmem_shared>>
      tpu.enqueue_dma source(%arg9 : memref<128x128xf32, #tpu.memory_space<vmem>>) target(%dma_start3A_42 : memref<128x128xf32, #tpu.memory_space<vmem_shared>>) target_semaphore(%run_scoped3A : memref<!tpu.dma_semaphore, #tpu.memory_space<semaphore_mem>>)
      %dma_wait3A = arith.constant 0 : i32
      %dma_wait3A_43 = tpu.memref_slice %arg10[%add3A_28, %dma_wait3A] : memref<10240x128xf32, #tpu.memory_space<vmem_shared>> -> memref<128x128xf32, #tpu.memory_space<vmem_shared>>
      %dma_wait3A_44 = arith.constant 0 : i32
      %dma_wait3A_45 = tpu.memref_slice %arg10[%add3A_28, %dma_wait3A_44] : memref<10240x128xf32, #tpu.memory_space<vmem_shared>> -> memref<128x128xf32, #tpu.memory_space<vmem_shared>>
      tpu.wait_dma2 semaphore(%run_scoped3A : memref<!tpu.dma_semaphore, #tpu.memory_space<semaphore_mem>>) src(%arg9 : memref<128x128xf32, #tpu.memory_space<vmem>>) dst(%dma_wait3A_45 : memref<128x128xf32, #tpu.memory_space<vmem_shared>>)
      tpu.yield
    }) : () -> ()
    %barrier3A = arith.constant 0 : index
    tpu.barrier barrier_id(%barrier3A)
    %scan3A_29 = arith.constant 0 : i32
    %scan3A_30 = arith.constant 0 : i32
    %scan3A_31 = arith.constant 79 : i32
    %scan3A_32 = arith.addi %scan3A_30, %scan3A_31 : i32
    %scan3A_33 = arith.constant 1 : i32
    scf.for %scan3A_40 = %scan3A_30 to %scan3A_32 step %scan3A_33  : i32 {
      %mul3A_41 = arith.constant 128 : i32
      %mul3A_42 = arith.muli %scan3A_40, %mul3A_41 : i32
      %add3A_43 = arith.addi %mul3A_2, %mul3A_42 : i32
      %run_scoped3A = arith.constant 0 : i32
      "tpu.region"() ({
        %run_scoped3A_50 = tpu.sem_alloc : memref<!tpu.dma_semaphore, #tpu.memory_space<semaphore_mem>>
        %dma_start3A = arith.constant 0 : i32
        %dma_start3A_51 = tpu.memref_slice %arg6[%run_scoped3A, %dma_start3A] : memref<1x128xi32, #tpu.memory_space<vmem>> -> memref<1x128xi32, #tpu.memory_space<vmem>>
        %dma_start3A_52 = tpu.memref_squeeze %dma_start3A_51 : memref<1x128xi32, #tpu.memory_space<vmem>> -> memref<128xi32, #tpu.memory_space<vmem>>
        %dma_start3A_53 = tpu.memref_slice %arg3[%add3A_43] : memref<323584xi32, #tpu.memory_space<hbm>> -> memref<128xi32, #tpu.memory_space<hbm>>
        %dma_start3A_54 = arith.constant 0 : i32
        %dma_start3A_55 = tpu.memref_slice %arg6[%run_scoped3A, %dma_start3A_54] : memref<1x128xi32, #tpu.memory_space<vmem>> -> memref<1x128xi32, #tpu.memory_space<vmem>>
        %dma_start3A_56 = tpu.memref_squeeze %dma_start3A_55 : memref<1x128xi32, #tpu.memory_space<vmem>> -> memref<128xi32, #tpu.memory_space<vmem>>
        %dma_start3A_57 = tpu.memref_slice %arg3[%add3A_43] : memref<323584xi32, #tpu.memory_space<hbm>> -> memref<128xi32, #tpu.memory_space<hbm>>
        tpu.enqueue_dma source(%dma_start3A_57 : memref<128xi32, #tpu.memory_space<hbm>>) target(%dma_start3A_56 : memref<128xi32, #tpu.memory_space<vmem>>) target_semaphore(%run_scoped3A_50 : memref<!tpu.dma_semaphore, #tpu.memory_space<semaphore_mem>>)
        %dma_wait3A = arith.constant 0 : i32
        %dma_wait3A_58 = tpu.memref_slice %arg6[%run_scoped3A, %dma_wait3A] : memref<1x128xi32, #tpu.memory_space<vmem>> -> memref<1x128xi32, #tpu.memory_space<vmem>>
        %dma_wait3A_59 = tpu.memref_squeeze %dma_wait3A_58 : memref<1x128xi32, #tpu.memory_space<vmem>> -> memref<128xi32, #tpu.memory_space<vmem>>
        %dma_wait3A_60 = tpu.memref_slice %arg3[%add3A_43] : memref<323584xi32, #tpu.memory_space<hbm>> -> memref<128xi32, #tpu.memory_space<hbm>>
        %dma_wait3A_61 = arith.constant 0 : i32
        %dma_wait3A_62 = tpu.memref_slice %arg6[%run_scoped3A, %dma_wait3A_61] : memref<1x128xi32, #tpu.memory_space<vmem>> -> memref<1x128xi32, #tpu.memory_space<vmem>>
        %dma_wait3A_63 = tpu.memref_squeeze %dma_wait3A_62 : memref<1x128xi32, #tpu.memory_space<vmem>> -> memref<128xi32, #tpu.memory_space<vmem>>
        %dma_wait3A_64 = tpu.memref_slice %arg3[%add3A_43] : memref<323584xi32, #tpu.memory_space<hbm>> -> memref<128xi32, #tpu.memory_space<hbm>>
        tpu.wait_dma2 semaphore(%run_scoped3A_50 : memref<!tpu.dma_semaphore, #tpu.memory_space<semaphore_mem>>) src(%dma_wait3A_64 : memref<128xi32, #tpu.memory_space<hbm>>) dst(%dma_wait3A_63 : memref<128xi32, #tpu.memory_space<vmem>>)
        tpu.yield
      }) : () -> ()
      %mul3A_44 = arith.constant 128 : i32
      %mul3A_45 = arith.muli %scan3A_40, %mul3A_44 : i32
      %add3A_46 = arith.addi %mul3A_2, %mul3A_45 : i32
      %run_scoped3A_47 = arith.constant 0 : i32
      "tpu.region"() ({
        %run_scoped3A_50 = tpu.sem_alloc : memref<!tpu.dma_semaphore, #tpu.memory_space<semaphore_mem>>
        %dma_start3A = arith.constant 0 : i32
        %dma_start3A_51 = tpu.memref_slice %arg7[%run_scoped3A_47, %dma_start3A] : memref<1x128xi32, #tpu.memory_space<vmem>> -> memref<1x128xi32, #tpu.memory_space<vmem>>
        %dma_start3A_52 = tpu.memref_squeeze %dma_start3A_51 : memref<1x128xi32, #tpu.memory_space<vmem>> -> memref<128xi32, #tpu.memory_space<vmem>>
        %dma_start3A_53 = tpu.memref_slice %arg4[%add3A_46] : memref<323584xi32, #tpu.memory_space<hbm>> -> memref<128xi32, #tpu.memory_space<hbm>>
        %dma_start3A_54 = arith.constant 0 : i32
        %dma_start3A_55 = tpu.memref_slice %arg7[%run_scoped3A_47, %dma_start3A_54] : memref<1x128xi32, #tpu.memory_space<vmem>> -> memref<1x128xi32, #tpu.memory_space<vmem>>
        %dma_start3A_56 = tpu.memref_squeeze %dma_start3A_55 : memref<1x128xi32, #tpu.memory_space<vmem>> -> memref<128xi32, #tpu.memory_space<vmem>>
        %dma_start3A_57 = tpu.memref_slice %arg4[%add3A_46] : memref<323584xi32, #tpu.memory_space<hbm>> -> memref<128xi32, #tpu.memory_space<hbm>>
        tpu.enqueue_dma source(%dma_start3A_57 : memref<128xi32, #tpu.memory_space<hbm>>) target(%dma_start3A_56 : memref<128xi32, #tpu.memory_space<vmem>>) target_semaphore(%run_scoped3A_50 : memref<!tpu.dma_semaphore, #tpu.memory_space<semaphore_mem>>)
        %dma_wait3A = arith.constant 0 : i32
        %dma_wait3A_58 = tpu.memref_slice %arg7[%run_scoped3A_47, %dma_wait3A] : memref<1x128xi32, #tpu.memory_space<vmem>> -> memref<1x128xi32, #tpu.memory_space<vmem>>
        %dma_wait3A_59 = tpu.memref_squeeze %dma_wait3A_58 : memref<1x128xi32, #tpu.memory_space<vmem>> -> memref<128xi32, #tpu.memory_space<vmem>>
        %dma_wait3A_60 = tpu.memref_slice %arg4[%add3A_46] : memref<323584xi32, #tpu.memory_space<hbm>> -> memref<128xi32, #tpu.memory_space<hbm>>
        %dma_wait3A_61 = arith.constant 0 : i32
        %dma_wait3A_62 = tpu.memref_slice %arg7[%run_scoped3A_47, %dma_wait3A_61] : memref<1x128xi32, #tpu.memory_space<vmem>> -> memref<1x128xi32, #tpu.memory_space<vmem>>
        %dma_wait3A_63 = tpu.memref_squeeze %dma_wait3A_62 : memref<1x128xi32, #tpu.memory_space<vmem>> -> memref<128xi32, #tpu.memory_space<vmem>>
        %dma_wait3A_64 = tpu.memref_slice %arg4[%add3A_46] : memref<323584xi32, #tpu.memory_space<hbm>> -> memref<128xi32, #tpu.memory_space<hbm>>
        tpu.wait_dma2 semaphore(%run_scoped3A_50 : memref<!tpu.dma_semaphore, #tpu.memory_space<semaphore_mem>>) src(%dma_wait3A_64 : memref<128xi32, #tpu.memory_space<hbm>>) dst(%dma_wait3A_63 : memref<128xi32, #tpu.memory_space<vmem>>)
        tpu.yield
      }) : () -> ()
      %run_scoped3A_48 = arith.constant 0 : i32
      "tpu.region"() ({
        %run_scoped3A_50 = tpu.sem_alloc : memref<!tpu.dma_semaphore, #tpu.memory_space<semaphore_mem>>
        %dma_start3A = arith.constant 0 : i32
        %dma_start3A_51 = tpu.memref_slice %arg6[%run_scoped3A_48, %dma_start3A] : memref<1x128xi32, #tpu.memory_space<vmem>> -> memref<1x128xi32, #tpu.memory_space<vmem>>
        %dma_start3A_52 = tpu.memref_squeeze %dma_start3A_51 : memref<1x128xi32, #tpu.memory_space<vmem>> -> memref<128xi32, #tpu.memory_space<vmem>>
        %dma_start3A_53 = arith.constant 0 : i32
        %dma_start3A_54 = arith.constant 0 : i32
        %dma_start3A_55 = tpu.memref_slice %arg2[%dma_start3A_53, %dma_start3A_54] : memref<10240x128xf32, #tpu.memory_space<hbm>> -> memref<10240x128xf32, #tpu.memory_space<hbm>>
        tpu.enqueue_indirect_dma source(%dma_start3A_55 : memref<10240x128xf32, #tpu.memory_space<hbm>>) target(%arg8 : memref<128x128xf32, #tpu.memory_space<vmem>>) offsets(%dma_start3A_52 : memref<128xi32, #tpu.memory_space<vmem>>) semaphore(%run_scoped3A_50 : memref<!tpu.dma_semaphore, #tpu.memory_space<semaphore_mem>>)
        %dma_wait3A = arith.constant 0 : i32
        %dma_wait3A_56 = tpu.memref_slice %arg6[%run_scoped3A_48, %dma_wait3A] : memref<1x128xi32, #tpu.memory_space<vmem>> -> memref<1x128xi32, #tpu.memory_space<vmem>>
        %dma_wait3A_57 = tpu.memref_squeeze %dma_wait3A_56 : memref<1x128xi32, #tpu.memory_space<vmem>> -> memref<128xi32, #tpu.memory_space<vmem>>
        %dma_wait3A_58 = arith.constant 0 : i32
        %dma_wait3A_59 = arith.constant 0 : i32
        %dma_wait3A_60 = tpu.memref_slice %arg2[%dma_wait3A_58, %dma_wait3A_59] : memref<10240x128xf32, #tpu.memory_space<hbm>> -> memref<10240x128xf32, #tpu.memory_space<hbm>>
        tpu.wait_indirect_dma semaphore(%run_scoped3A_50 : memref<!tpu.dma_semaphore, #tpu.memory_space<semaphore_mem>>) src(%dma_wait3A_60 : memref<10240x128xf32, #tpu.memory_space<hbm>>) dst(%arg8 : memref<128x128xf32, #tpu.memory_space<vmem>>)
        tpu.yield
      }) : () -> ()
      %run_scoped3A_49 = arith.constant 0 : i32
      "tpu.region"() ({
        %run_scoped3A_50 = tpu.sem_alloc : memref<!tpu.dma_semaphore, #tpu.memory_space<semaphore_mem>>
        %dma_start3A = arith.constant 0 : i32
        %dma_start3A_51 = tpu.memref_slice %arg7[%run_scoped3A_49, %dma_start3A] : memref<1x128xi32, #tpu.memory_space<vmem>> -> memref<1x128xi32, #tpu.memory_space<vmem>>
        %dma_start3A_52 = tpu.memref_squeeze %dma_start3A_51 : memref<1x128xi32, #tpu.memory_space<vmem>> -> memref<128xi32, #tpu.memory_space<vmem>>
        %dma_start3A_53 = arith.constant 0 : i32
        %dma_start3A_54 = arith.constant 0 : i32
        %dma_start3A_55 = tpu.memref_slice %arg10[%dma_start3A_53, %dma_start3A_54] : memref<10240x128xf32, #tpu.memory_space<vmem_shared>> -> memref<10240x128xf32, #tpu.memory_space<vmem_shared>>
        tpu.enqueue_indirect_dma source(%arg8 : memref<128x128xf32, #tpu.memory_space<vmem>>) target(%dma_start3A_55 : memref<10240x128xf32, #tpu.memory_space<vmem_shared>>) offsets(%dma_start3A_52 : memref<128xi32, #tpu.memory_space<vmem>>) semaphore(%run_scoped3A_50 : memref<!tpu.dma_semaphore, #tpu.memory_space<semaphore_mem>>) {add = true}
        %dma_wait3A = arith.constant 0 : i32
        %dma_wait3A_56 = tpu.memref_slice %arg7[%run_scoped3A_49, %dma_wait3A] : memref<1x128xi32, #tpu.memory_space<vmem>> -> memref<1x128xi32, #tpu.memory_space<vmem>>
        %dma_wait3A_57 = tpu.memref_squeeze %dma_wait3A_56 : memref<1x128xi32, #tpu.memory_space<vmem>> -> memref<128xi32, #tpu.memory_space<vmem>>
        %dma_wait3A_58 = arith.constant 0 : i32
        %dma_wait3A_59 = arith.constant 0 : i32
        %dma_wait3A_60 = tpu.memref_slice %arg10[%dma_wait3A_58, %dma_wait3A_59] : memref<10240x128xf32, #tpu.memory_space<vmem_shared>> -> memref<10240x128xf32, #tpu.memory_space<vmem_shared>>
        tpu.wait_indirect_dma semaphore(%run_scoped3A_50 : memref<!tpu.dma_semaphore, #tpu.memory_space<semaphore_mem>>) src(%arg8 : memref<128x128xf32, #tpu.memory_space<vmem>>) dst(%dma_wait3A_60 : memref<10240x128xf32, #tpu.memory_space<vmem_shared>>)
        tpu.yield
      }) : () -> ()
    }
    %scan3A_34 = arith.constant 79 : i32
    %barrier3A_35 = arith.constant 0 : index
    tpu.barrier barrier_id(%barrier3A_35)
    %mul3A_36 = arith.constant 640 : i32
    %mul3A_37 = arith.muli %arg1, %mul3A_36 : i32
    %mul3A_38 = arith.constant 640 : i32
    %mul3A_39 = arith.muli %arg1, %mul3A_38 : i32
    "tpu.region"() ({
      %run_scoped3A = tpu.sem_alloc : memref<!tpu.dma_semaphore, #tpu.memory_space<semaphore_mem>>
      %dma_start3A = arith.constant 0 : i32
      %dma_start3A_40 = tpu.memref_slice %arg5[%arg0, %mul3A_39, %dma_start3A] : memref<2x10240x128xf32, #tpu.memory_space<hbm>> -> memref<1x640x128xf32, #tpu.memory_space<hbm>>
      %dma_start3A_41 = tpu.memref_squeeze %dma_start3A_40 : memref<1x640x128xf32, #tpu.memory_space<hbm>> -> memref<640x128xf32, #tpu.memory_space<hbm>>
      %dma_start3A_42 = arith.constant 0 : i32
      %dma_start3A_43 = tpu.memref_slice %arg10[%mul3A_37, %dma_start3A_42] : memref<10240x128xf32, #tpu.memory_space<vmem_shared>> -> memref<640x128xf32, #tpu.memory_space<vmem_shared>>
      tpu.enqueue_dma source(%dma_start3A_43 : memref<640x128xf32, #tpu.memory_space<vmem_shared>>) target(%dma_start3A_41 : memref<640x128xf32, #tpu.memory_space<hbm>>) target_semaphore(%run_scoped3A : memref<!tpu.dma_semaphore, #tpu.memory_space<semaphore_mem>>)
      %dma_wait3A = arith.constant 0 : i32
      %dma_wait3A_44 = tpu.memref_slice %arg5[%arg0, %mul3A_39, %dma_wait3A] : memref<2x10240x128xf32, #tpu.memory_space<hbm>> -> memref<1x640x128xf32, #tpu.memory_space<hbm>>
      %dma_wait3A_45 = tpu.memref_squeeze %dma_wait3A_44 : memref<1x640x128xf32, #tpu.memory_space<hbm>> -> memref<640x128xf32, #tpu.memory_space<hbm>>
      %dma_wait3A_46 = arith.constant 0 : i32
      %dma_wait3A_47 = tpu.memref_slice %arg10[%mul3A_37, %dma_wait3A_46] : memref<10240x128xf32, #tpu.memory_space<vmem_shared>> -> memref<640x128xf32, #tpu.memory_space<vmem_shared>>
      tpu.wait_dma2 semaphore(%run_scoped3A : memref<!tpu.dma_semaphore, #tpu.memory_space<semaphore_mem>>) src(%dma_wait3A_47 : memref<640x128xf32, #tpu.memory_space<vmem_shared>>) dst(%dma_wait3A_45 : memref<640x128xf32, #tpu.memory_space<hbm>>)
      tpu.yield
    }) : () -> ()
    return
  }
}

module attributes {stable_mosaic.version = 14 : i64} {
  func.func @_norm_body(%arg0: i32, %arg1: memref<32x512xf32, #tpu.memory_space<vmem>>, %arg2: memref<32x512xf32, #tpu.memory_space<vmem>>, %arg3: memref<512x128xf32, #tpu.memory_space<vmem>>, %arg4: memref<512x128xf32, #tpu.memory_space<vmem>>, %arg5: memref<512x1xf32, #tpu.memory_space<vmem>>, %arg6: memref<512x1xf32, #tpu.memory_space<vmem>>) attributes {dimension_semantics = [#tpu.dimension_semantics<arbitrary>], iteration_bounds = array<i64: 20>, scalar_prefetch = 0 : i64, scratch_operands = 0 : i64, tpu.core_type = #tpu.core_type<tc>, window_params = [{transform_indices = @transform_0, window_bounds = array<i64: 32, 512>}, {transform_indices = @transform_1, window_bounds = array<i64: 32, 512>}, {transform_indices = @transform_2, window_bounds = array<i64: 512, 128>}, {transform_indices = @transform_3, window_bounds = array<i64: 512, 128>}, {transform_indices = @transform_4, window_bounds = array<i64: 512, 1>}, {transform_indices = @transform_5, window_bounds = array<i64: 512, 1>}]} {
    %get3A = arith.constant 0 : index
    %get3A_0 = arith.constant 0 : index
    %get3A_1 = vector.load %arg1[%get3A, %get3A_0] : memref<32x512xf32, #tpu.memory_space<vmem>>, vector<32x512xf32>
    %reduce_sum3A = arith.constant dense<0.000000e+00> : vector<512xf32>
    %reduce_sum3A_2 = vector.multi_reduction <add>, %get3A_1, %reduce_sum3A [0] : vector<32x512xf32> to vector<512xf32>
    %get3A_3 = arith.constant 0 : index
    %get3A_4 = arith.constant 0 : index
    %get3A_5 = vector.load %arg2[%get3A_3, %get3A_4] : memref<32x512xf32, #tpu.memory_space<vmem>>, vector<32x512xf32>
    %reduce_sum3A_6 = arith.constant dense<0.000000e+00> : vector<512xf32>
    %reduce_sum3A_7 = vector.multi_reduction <add>, %get3A_5, %reduce_sum3A_6 [0] : vector<32x512xf32> to vector<512xf32>
    %gt3A = arith.constant 0.000000e+00 : f32
    %gt3A_8 = vector.broadcast %gt3A : f32 to vector<512xf32>
    %gt3A_9 = arith.cmpf ogt, %reduce_sum3A_2, %gt3A_8 : vector<512xf32>
    %jit3A = arith.constant 1.000000e+00 : f32
    %broadcast_in_dim3A = vector.broadcast %jit3A : f32 to vector<512xf32>
    %select_n3A = arith.select %gt3A_9, %reduce_sum3A_2, %broadcast_in_dim3A : vector<512xi1>, vector<512xf32>
    %rsqrt3A = math.rsqrt %select_n3A : vector<512xf32>
    %gt3A_10 = arith.constant 0.000000e+00 : f32
    %gt3A_11 = vector.broadcast %gt3A_10 : f32 to vector<512xf32>
    %gt3A_12 = arith.cmpf ogt, %reduce_sum3A_7, %gt3A_11 : vector<512xf32>
    %jit3A_13 = arith.constant 1.000000e+00 : f32
    %broadcast_in_dim3A_14 = vector.broadcast %jit3A_13 : f32 to vector<512xf32>
    %select_n3A_15 = arith.select %gt3A_12, %reduce_sum3A_7, %broadcast_in_dim3A_14 : vector<512xi1>, vector<512xf32>
    %rsqrt3A_16 = math.rsqrt %select_n3A_15 : vector<512xf32>
    %broadcast_in_dim3A_17 = vector.shape_cast %rsqrt3A : vector<512xf32> to vector<512x1xf32>
    %swap3A = arith.constant 0 : index
    %swap3A_18 = arith.constant 0 : index
    %swap3A_19 = vector.load %arg5[%swap3A, %swap3A_18] : memref<512x1xf32, #tpu.memory_space<vmem>>, vector<512x1xf32>
    tpu.vector_store %arg5[%swap3A, %swap3A_18], %broadcast_in_dim3A_17 {strides = array<i32>} : memref<512x1xf32, #tpu.memory_space<vmem>>, vector<512x1xf32>,
    %broadcast_in_dim3A_20 = vector.shape_cast %rsqrt3A_16 : vector<512xf32> to vector<512x1xf32>
    %swap3A_21 = arith.constant 0 : index
    %swap3A_22 = arith.constant 0 : index
    %swap3A_23 = vector.load %arg6[%swap3A_21, %swap3A_22] : memref<512x1xf32, #tpu.memory_space<vmem>>, vector<512x1xf32>
    tpu.vector_store %arg6[%swap3A_21, %swap3A_22], %broadcast_in_dim3A_20 {strides = array<i32>} : memref<512x1xf32, #tpu.memory_space<vmem>>, vector<512x1xf32>,
    %get3A_24 = arith.constant 0 : index
    %get3A_25 = arith.constant 0 : index
    %get3A_26 = vector.load %arg3[%get3A_24, %get3A_25] : memref<512x128xf32, #tpu.memory_space<vmem>>, vector<512x128xf32>
    %broadcast_in_dim3A_27 = vector.shape_cast %rsqrt3A : vector<512xf32> to vector<512x1xf32>
    %mul3A = vector.broadcast %broadcast_in_dim3A_27 : vector<512x1xf32> to vector<512x128xf32>
    %mul3A_28 = arith.mulf %get3A_26, %mul3A : vector<512x128xf32>
    %swap3A_29 = arith.constant 0 : index
    %swap3A_30 = arith.constant 0 : index
    %swap3A_31 = vector.load %arg4[%swap3A_29, %swap3A_30] : memref<512x128xf32, #tpu.memory_space<vmem>>, vector<512x128xf32>
    tpu.vector_store %arg4[%swap3A_29, %swap3A_30], %mul3A_28 {strides = array<i32>} : memref<512x128xf32, #tpu.memory_space<vmem>>, vector<512x128xf32>,
    return
  }
  func.func @transform_0(%arg0: i32) -> (i32, i32) {
    %c0_i32 = arith.constant 0 : i32
    %c0_i32_0 = arith.constant 0 : i32
    return %c0_i32, %arg0 : i32, i32
  }
  func.func @transform_1(%arg0: i32) -> (i32, i32) {
    %c0_i32 = arith.constant 0 : i32
    %c0_i32_0 = arith.constant 0 : i32
    return %c0_i32, %arg0 : i32, i32
  }
  func.func @transform_2(%arg0: i32) -> (i32, i32) {
    %c0_i32 = arith.constant 0 : i32
    %c0_i32_0 = arith.constant 0 : i32
    return %arg0, %c0_i32 : i32, i32
  }
  func.func @transform_3(%arg0: i32) -> (i32, i32) {
    %c0_i32 = arith.constant 0 : i32
    %c0_i32_0 = arith.constant 0 : i32
    return %arg0, %c0_i32 : i32, i32
  }
  func.func @transform_4(%arg0: i32) -> (i32, i32) {
    %c0_i32 = arith.constant 0 : i32
    %c0_i32_0 = arith.constant 0 : i32
    return %arg0, %c0_i32 : i32, i32
  }
  func.func @transform_5(%arg0: i32) -> (i32, i32) {
    %c0_i32 = arith.constant 0 : i32
    %c0_i32_0 = arith.constant 0 : i32
    return %arg0, %c0_i32 : i32, i32
  }
}

module attributes {stable_mosaic.version = 14 : i64} {
  func.func @body(%arg0: i32, %arg1: memref<512x128xf32, #tpu.memory_space<vmem>>, %arg2: memref<512x128xf32, #tpu.memory_space<vmem>>, %arg3: memref<512x1xf32, #tpu.memory_space<vmem>>, %arg4: memref<512x1xf32, #tpu.memory_space<vmem>>, %arg5: memref<128x128xf32, #tpu.memory_space<vmem>>, %arg6: memref<1x128xf32, #tpu.memory_space<vmem>>, %arg7: memref<512x128xf32, #tpu.memory_space<vmem>>) attributes {dimension_semantics = [#tpu.dimension_semantics<arbitrary>], iteration_bounds = array<i64: 20>, scalar_prefetch = 0 : i64, scratch_operands = 0 : i64, tpu.core_type = #tpu.core_type<tc>, window_params = [{transform_indices = @transform_0, window_bounds = array<i64: 512, 128>}, {transform_indices = @transform_1, window_bounds = array<i64: 512, 128>}, {transform_indices = @transform_2, window_bounds = array<i64: 512, 1>}, {transform_indices = @transform_3, window_bounds = array<i64: 512, 1>}, {pipeline_mode = #tpu.pipeline_mode<synchronous>, transform_indices = @transform_4, window_bounds = array<i64: 128, 128>}, {pipeline_mode = #tpu.pipeline_mode<synchronous>, transform_indices = @transform_5, window_bounds = array<i64: 1, 128>}, {transform_indices = @transform_6, window_bounds = array<i64: 512, 128>}]} {
    %get3A = arith.constant 0 : index
    %get3A_0 = arith.constant 0 : index
    %get3A_1 = vector.load %arg1[%get3A, %get3A_0] : memref<512x128xf32, #tpu.memory_space<vmem>>, vector<512x128xf32>
    %get3A_2 = arith.constant 0 : index
    %get3A_3 = arith.constant 0 : index
    %get3A_4 = vector.load %arg2[%get3A_2, %get3A_3] : memref<512x128xf32, #tpu.memory_space<vmem>>, vector<512x128xf32>
    %add3A = arith.addf %get3A_1, %get3A_4 : vector<512x128xf32>
    %get3A_5 = arith.constant 0 : index
    %get3A_6 = arith.constant 0 : index
    %get3A_7 = vector.load %arg3[%get3A_5, %get3A_6] : memref<512x1xf32, #tpu.memory_space<vmem>>, vector<512x1xf32>
    %mul3A = vector.broadcast %get3A_7 : vector<512x1xf32> to vector<512x128xf32>
    %mul3A_8 = arith.mulf %add3A, %mul3A : vector<512x128xf32>
    %get3A_9 = arith.constant 0 : index
    %get3A_10 = arith.constant 0 : index
    %get3A_11 = vector.load %arg5[%get3A_9, %get3A_10] : memref<128x128xf32, #tpu.memory_space<vmem>>, vector<128x128xf32>
    %dot_general3A = arith.constant dense<0.000000e+00> : vector<512x128xf32>
    %dot_general3A_12 = tpu.matmul %mul3A_8, %get3A_11, %dot_general3A {dimension_numbers = #tpu.dot_dimension_numbers<[1], [0], [0], [1], [0, 0, 1, 1], [], []>, transpose_lhs_hint = false} : vector<512x128xf32>, vector<128x128xf32>, vector<512x128xf32> -> vector<512x128xf32>
    %get3A_13 = arith.constant 0 : index
    %get3A_14 = arith.constant 0 : index
    %get3A_15 = vector.load %arg6[%get3A_13, %get3A_14] : memref<1x128xf32, #tpu.memory_space<vmem>>, vector<1x128xf32>
    %add3A_16 = vector.broadcast %get3A_15 : vector<1x128xf32> to vector<512x128xf32>
    %add3A_17 = arith.addf %dot_general3A_12, %add3A_16 : vector<512x128xf32>
    %max3A = arith.constant 0.000000e+00 : f32
    %max3A_18 = vector.broadcast %max3A : f32 to vector<512x128xf32>
    %max3A_19 = arith.maximumf %add3A_17, %max3A_18 : vector<512x128xf32>
    %get3A_20 = arith.constant 0 : index
    %get3A_21 = arith.constant 0 : index
    %get3A_22 = vector.load %arg4[%get3A_20, %get3A_21] : memref<512x1xf32, #tpu.memory_space<vmem>>, vector<512x1xf32>
    %mul3A_23 = vector.broadcast %get3A_22 : vector<512x1xf32> to vector<512x128xf32>
    %mul3A_24 = arith.mulf %max3A_19, %mul3A_23 : vector<512x128xf32>
    %swap3A = arith.constant 0 : index
    %swap3A_25 = arith.constant 0 : index
    %swap3A_26 = vector.load %arg7[%swap3A, %swap3A_25] : memref<512x128xf32, #tpu.memory_space<vmem>>, vector<512x128xf32>
    tpu.vector_store %arg7[%swap3A, %swap3A_25], %mul3A_24 {strides = array<i32>} : memref<512x128xf32, #tpu.memory_space<vmem>>, vector<512x128xf32>,
    return
  }
  func.func @transform_0(%arg0: i32) -> (i32, i32) {
    %c0_i32 = arith.constant 0 : i32
    %c0_i32_0 = arith.constant 0 : i32
    return %arg0, %c0_i32 : i32, i32
  }
  func.func @transform_1(%arg0: i32) -> (i32, i32) {
    %c0_i32 = arith.constant 0 : i32
    %c0_i32_0 = arith.constant 0 : i32
    return %arg0, %c0_i32 : i32, i32
  }
  func.func @transform_2(%arg0: i32) -> (i32, i32) {
    %c0_i32 = arith.constant 0 : i32
    %c0_i32_0 = arith.constant 0 : i32
    return %arg0, %c0_i32 : i32, i32
  }
  func.func @transform_3(%arg0: i32) -> (i32, i32) {
    %c0_i32 = arith.constant 0 : i32
    %c0_i32_0 = arith.constant 0 : i32
    return %arg0, %c0_i32 : i32, i32
  }
  func.func @transform_4(%arg0: i32) -> (i32, i32) {
    %c0_i32 = arith.constant 0 : i32
    %c0_i32_0 = arith.constant 0 : i32
    %c0_i32_1 = arith.constant 0 : i32
    return %c0_i32, %c0_i32_0 : i32, i32
  }
  func.func @transform_5(%arg0: i32) -> (i32, i32) {
    %c0_i32 = arith.constant 0 : i32
    %c0_i32_0 = arith.constant 0 : i32
    %c0_i32_1 = arith.constant 0 : i32
    return %c0_i32, %c0_i32_0 : i32, i32
  }
  func.func @transform_6(%arg0: i32) -> (i32, i32) {
    %c0_i32 = arith.constant 0 : i32
    %c0_i32_0 = arith.constant 0 : i32
    return %arg0, %c0_i32 : i32, i32
  }
}

module attributes {stable_mosaic.version = 14 : i64} {
  func.func @body(%arg0: i32, %arg1: memref<512x128xf32, #tpu.memory_space<vmem>>, %arg2: memref<512x128xf32, #tpu.memory_space<vmem>>, %arg3: memref<512x1xf32, #tpu.memory_space<vmem>>, %arg4: memref<512x1xf32, #tpu.memory_space<vmem>>, %arg5: memref<128x128xf32, #tpu.memory_space<vmem>>, %arg6: memref<1x128xf32, #tpu.memory_space<vmem>>, %arg7: memref<512x128xf32, #tpu.memory_space<vmem>>) attributes {dimension_semantics = [#tpu.dimension_semantics<arbitrary>], iteration_bounds = array<i64: 20>, scalar_prefetch = 0 : i64, scratch_operands = 0 : i64, tpu.core_type = #tpu.core_type<tc>, window_params = [{transform_indices = @transform_0, window_bounds = array<i64: 512, 128>}, {transform_indices = @transform_1, window_bounds = array<i64: 512, 128>}, {transform_indices = @transform_2, window_bounds = array<i64: 512, 1>}, {transform_indices = @transform_3, window_bounds = array<i64: 512, 1>}, {pipeline_mode = #tpu.pipeline_mode<synchronous>, transform_indices = @transform_4, window_bounds = array<i64: 128, 128>}, {pipeline_mode = #tpu.pipeline_mode<synchronous>, transform_indices = @transform_5, window_bounds = array<i64: 1, 128>}, {transform_indices = @transform_6, window_bounds = array<i64: 512, 128>}]} {
    %get3A = arith.constant 0 : index
    %get3A_0 = arith.constant 0 : index
    %get3A_1 = vector.load %arg1[%get3A, %get3A_0] : memref<512x128xf32, #tpu.memory_space<vmem>>, vector<512x128xf32>
    %get3A_2 = arith.constant 0 : index
    %get3A_3 = arith.constant 0 : index
    %get3A_4 = vector.load %arg2[%get3A_2, %get3A_3] : memref<512x128xf32, #tpu.memory_space<vmem>>, vector<512x128xf32>
    %add3A = arith.addf %get3A_1, %get3A_4 : vector<512x128xf32>
    %get3A_5 = arith.constant 0 : index
    %get3A_6 = arith.constant 0 : index
    %get3A_7 = vector.load %arg3[%get3A_5, %get3A_6] : memref<512x1xf32, #tpu.memory_space<vmem>>, vector<512x1xf32>
    %mul3A = vector.broadcast %get3A_7 : vector<512x1xf32> to vector<512x128xf32>
    %mul3A_8 = arith.mulf %add3A, %mul3A : vector<512x128xf32>
    %get3A_9 = arith.constant 0 : index
    %get3A_10 = arith.constant 0 : index
    %get3A_11 = vector.load %arg5[%get3A_9, %get3A_10] : memref<128x128xf32, #tpu.memory_space<vmem>>, vector<128x128xf32>
    %dot_general3A = arith.constant dense<0.000000e+00> : vector<512x128xf32>
    %dot_general3A_12 = tpu.matmul %mul3A_8, %get3A_11, %dot_general3A {dimension_numbers = #tpu.dot_dimension_numbers<[1], [0], [0], [1], [0, 0, 1, 1], [], []>, transpose_lhs_hint = false} : vector<512x128xf32>, vector<128x128xf32>, vector<512x128xf32> -> vector<512x128xf32>
    %get3A_13 = arith.constant 0 : index
    %get3A_14 = arith.constant 0 : index
    %get3A_15 = vector.load %arg6[%get3A_13, %get3A_14] : memref<1x128xf32, #tpu.memory_space<vmem>>, vector<1x128xf32>
    %add3A_16 = vector.broadcast %get3A_15 : vector<1x128xf32> to vector<512x128xf32>
    %add3A_17 = arith.addf %dot_general3A_12, %add3A_16 : vector<512x128xf32>
    %swap3A = arith.constant 0 : index
    %swap3A_18 = arith.constant 0 : index
    %swap3A_19 = vector.load %arg7[%swap3A, %swap3A_18] : memref<512x128xf32, #tpu.memory_space<vmem>>, vector<512x128xf32>
    tpu.vector_store %arg7[%swap3A, %swap3A_18], %add3A_17 {strides = array<i32>} : memref<512x128xf32, #tpu.memory_space<vmem>>, vector<512x128xf32>,
    return
  }
  func.func @transform_0(%arg0: i32) -> (i32, i32) {
    %c0_i32 = arith.constant 0 : i32
    %c0_i32_0 = arith.constant 0 : i32
    return %arg0, %c0_i32 : i32, i32
  }
  func.func @transform_1(%arg0: i32) -> (i32, i32) {
    %c0_i32 = arith.constant 0 : i32
    %c0_i32_0 = arith.constant 0 : i32
    return %arg0, %c0_i32 : i32, i32
  }
  func.func @transform_2(%arg0: i32) -> (i32, i32) {
    %c0_i32 = arith.constant 0 : i32
    %c0_i32_0 = arith.constant 0 : i32
    return %arg0, %c0_i32 : i32, i32
  }
  func.func @transform_3(%arg0: i32) -> (i32, i32) {
    %c0_i32 = arith.constant 0 : i32
    %c0_i32_0 = arith.constant 0 : i32
    return %arg0, %c0_i32 : i32, i32
  }
  func.func @transform_4(%arg0: i32) -> (i32, i32) {
    %c0_i32 = arith.constant 0 : i32
    %c0_i32_0 = arith.constant 0 : i32
    %c0_i32_1 = arith.constant 0 : i32
    return %c0_i32, %c0_i32_0 : i32, i32
  }
  func.func @transform_5(%arg0: i32) -> (i32, i32) {
    %c0_i32 = arith.constant 0 : i32
    %c0_i32_0 = arith.constant 0 : i32
    %c0_i32_1 = arith.constant 0 : i32
    return %c0_i32, %c0_i32_0 : i32, i32
  }
  func.func @transform_6(%arg0: i32) -> (i32, i32) {
    %c0_i32 = arith.constant 0 : i32
    %c0_i32_0 = arith.constant 0 : i32
    return %arg0, %c0_i32 : i32, i32
  }
}

</mosaic_0001>

<sc_bundles>
// kernel: kernel.10.cloned.1.call-start
scs
__scs_entry_jumppad:
0x0: {  	(pc) =	sbr.rel $0x88, $3  }
0x1: {  	(tag) =	ssettag $0x0;
	lr =	simm.s32 $0x1  }
0x2: {  	[smem:$0x3F99] =	sst lr;
	_ =	strace $0xD0000000  }
0x3: {  	_ = 	snop  }
0x4: {  	_ = 	snop  }
0x5: {  	_ = 	snop  }
0x6: {  	_ = 	snop  }
0x7: {  	_ = 	snop  }
__scs_overlays_trampoline_lowered:
0x8: {  	[smem:$0x3FA8] =	sst s0  }
0x9: {  	[smem:$0x3FA9] =	sst s1  }
0xa: {  	[smem:$0x3FAA] =	sst s2  }
0xb: {  	[smem:$0x3FAB] =	sst s3  }
0xc: {  	[smem:$0x3FAC] =	sst s4  }
0xd: {  	[smem:$0x3FAD] =	sst s5  }
0xe: {  	[smem:$0x3FAE] =	sst s6  }
0xf: {  	[smem:$0x3FAF] =	sst s7  }
0x10: {  	[smem:$0x3FB0] =	sst s8  }
0x11: {  	[smem:$0x3FB1] =	sst s9;
	s0 =	simm.s32 @!p0 $0x0  }
0x12: {  	s1 =	sld [smem:$0x3F97];
	s0 =	simm.s32 @p0 $0x1  }
0x13: {  	[smem:$0x3FB2] =	sst s0;
	s0 =	simm.s32 @!p1 $0x0  }
0x14: {  	s2 =	sld [smem:$0x3F96];
	s0 =	simm.s32 @p1 $0x1  }
0x15: {  	[smem:$0x3FB3] =	sst s0;
	s0 =	simm.s32 @!p2 $0x0  }
0x16: {  	s3 =	sld [smem:$0x3FDB];
	s0 =	simm.s32 @p2 $0x1  }
0x17: {  	s4 =	simm.s32 $0x1BF5;
	[smem:$0x3FB5] =	sst s0  }
0x18: {  	s0 =	sld [smem:$0x3F98];
	_ =	swait.ge [sflag:s4], $0x0  }
0x19: {  	s7 =	sld [smem:$0x3F99]  }
0x1a: {  	s8 =	sadd.s32 $0xFFFFE003, lr  }
0x1b: {  	s9 =	sadd.s32 $0xFFFFFEF7, lr;
	s5 =	simm.s32 $0xFFFFFFFF;
	p2 =	slt.u32 s8, $0xFFFFF086  }
0x1c: {  	p1 =	slt.u32 s9, $0xF7A;
	s5 =	simm.s32 @!p2 $0x0  }
0x1d: {  	s5 =	simm.s32 @p1 $0x1;
	p0 =	seq.s32 s7, s2  }
0x1e: {  	s7 =	smul.u32 @!p0 $0xF7A, s2;
	p2 =	seq.s32 @!p0 s5, $0x0  }
0x1f: {  	s9 =	smul.u32 $0xF7A, s1;
	s8 =	simm.s32 @!p0 $0x1BF5;
	p2 =	por !p2, p0  }
0x20: {  	[sflag:s8] =	ssyncset.s32 @!p0 $0xFFFFF086;
	s6 =	sadd.s32 @!p0 s3, s7;
	s7 =	simm.s32 @!p0 $0x108  }
0x21: {  	s3 =	sadd.s32 s3, s9;
	s6 =	sadd.s32 @!p0 $0x88, s6;
	s7 =	simm.s32 @p2 $0x1082  }
0x22: {  	[simem:s7], [sflag:s8] =	dma.local @!p0 [hbm:s6], $0xF7A  }
0x23: {  	s9 =	sor.u32 $0xD0000000, s2;
	s6 =	simm.s32 $0x108;
	_ =	swait.ge @!p0 [sflag:s8], $0x0  }
0x24: {  	s3 =	sadd.s32 $0x88, s3;
	s6 =	simm.s32 @!p1 $0x1082;
	[sflag:s4] =	ssyncset.s32 $0xFFFFF086  }
0x25: {  	[simem:s6], [sflag:s4] =	dma.local [hbm:s3], $0xF7A  }
0x26: {  	[smem:$0x3F99] =	sst s1;
	(tag) =	ssettag s2;
	_ =	strace s9  }
0x27: {  	s1 =	sld [smem:$0x3FA9]  }
0x28: {  	s2 =	sld [smem:$0x3FAA]  }
0x29: {  	s4 =	sld [smem:$0x3FAC]  }
0x2a: {  	p0 =	seq.s32 s5, $0x0;
	s5 =	sld [smem:$0x3FAD]  }
0x2b: {  	s6 =	sld [smem:$0x3FAE]  }
0x2c: {  	s7 =	sld [smem:$0x3FAF]  }
0x2d: {  	s3 =	simm.s32 $0x108;
	s8 =	sld [smem:$0x3FB0]  }
0x2e: {  	s3 =	simm.s32 @!p0 $0x1082;
	s9 =	sld [smem:$0x3FB1]  }
0x2f: {  	lr =	sadd.s32 s0, s3;
	s0 =	sld [smem:$0x3FA8]  }
0x30: {  	s3 =	sld [smem:$0x3FAB]  }
0x31: {  	[smem:$0x3FB4] =	sst s10  }
0x32: {  	s10 =	sld [smem:$0x3FB2];
	_ =	sdelay $0x3  }
0x33: {  	p0 =	seq.s32 s10, $0x1;
	s10 =	sld [smem:$0x3FB4];
	_ =	sdelay $0x3  }
0x34: {  	[smem:$0x3FB4] =	sst s10  }
0x35: {  	s10 =	sld [smem:$0x3FB3];
	_ =	sdelay $0x3  }
0x36: {  	p1 =	seq.s32 s10, $0x1;
	s10 =	sld [smem:$0x3FB4];
	_ =	sdelay $0x3  }
0x37: {  	[smem:$0x3FB4] =	sst s10  }
0x38: {  	s10 =	sld [smem:$0x3FB5]  }
0x39: {  	_ = 	snop;
	(pc) =	sbr.ind lr, $3  }
0x3a: {  	_ = 	snop  }
0x3b: {  	_ = 	snop  }
0x3c: {  	p2 =	seq.s32 s10, $0x1;
	s10 =	sld [smem:$0x3FB4]  }
0x3d: {  	_ =	shalt  }
0x3e: {  	_ =	shalt  }
0x3f: {  	_ =	shalt  }
0x40: {  	_ =	shalt  }
0x41: {  	_ =	shalt  }
0x42: {  	_ =	shalt  }
0x43: {  	_ =	shalt  }
0x44: {  	_ =	shalt  }
0x45: {  	_ =	shalt  }
0x46: {  	_ =	shalt  }
0x47: {  	_ =	shalt  }
0x48: {  	_ =	shalt  }
0x49: {  	_ =	shalt  }
0x4a: {  	_ =	shalt  }
0x4b: {  	_ =	shalt  }
0x4c: {  	_ =	shalt  }
0x4d: {  	_ =	shalt  }
0x4e: {  	_ =	shalt  }
0x4f: {  	_ =	shalt  }
0x50: {  	_ =	shalt  }
0x51: {  	_ =	shalt  }
0x52: {  	_ =	shalt  }
0x53: {  	_ =	shalt  }
0x54: {  	_ =	shalt  }
0x55: {  	_ =	shalt  }
0x56: {  	_ =	shalt  }
0x57: {  	_ =	shalt  }
0x58: {  	_ =	shalt  }
0x59: {  	_ =	shalt  }
0x5a: {  	_ =	shalt  }
0x5b: {  	_ =	shalt  }
0x5c: {  	_ =	shalt  }
0x5d: {  	_ =	shalt  }
0x5e: {  	_ =	shalt  }
0x5f: {  	_ =	shalt  }
0x60: {  	_ =	shalt  }
0x61: {  	_ =	shalt  }
0x62: {  	_ =	shalt  }
0x63: {  	_ =	shalt  }
0x64: {  	_ =	shalt  }
0x65: {  	_ =	shalt  }
0x66: {  	_ =	shalt  }
0x67: {  	_ =	shalt  }
0x68: {  	_ =	shalt  }
0x69: {  	_ =	shalt  }
0x6a: {  	_ =	shalt  }
0x6b: {  	_ =	shalt  }
0x6c: {  	_ =	shalt  }
0x6d: {  	_ =	shalt  }
0x6e: {  	_ =	shalt  }
0x6f: {  	_ =	shalt  }
0x70: {  	_ =	shalt  }
0x71: {  	_ =	shalt  }
0x72: {  	_ =	shalt  }
0x73: {  	_ =	shalt  }
0x74: {  	_ =	shalt  }
0x75: {  	_ =	shalt  }
0x76: {  	_ =	shalt  }
0x77: {  	_ =	shalt  }
0x78: {  	_ =	shalt  }
0x79: {  	_ =	shalt  }
0x7a: {  	_ =	shalt  }
0x7b: {  	_ =	shalt  }
0x7c: {  	_ =	shalt  }
0x7d: {  	_ =	shalt  }
0x7e: {  	_ =	shalt  }
0x7f: {  	_ =	shalt  }
0x80: {  	_ =	shalt  }
0x81: {  	_ =	shalt  }
0x82: {  	_ =	shalt  }
0x83: {  	_ =	shalt  }
0x84: {  	_ =	shalt  }
0x85: {  	_ =	shalt  }
0x86: {  	_ =	shalt  }
0x87: {  	_ =	shalt  }
.Lfunc_end0:
.L_simem_size_0:
called_computation_lowered:
.L_overlay_start_0:
0x88: {  	s2 =	sld [smem:$0x3FD9]  }
0x89: {  	s3 =	sld [smem:$0x3FFE];
	_ =	sdelay $0x1  }
0x8a: {  	s1 =	srdreg.scid  }
0x8b: {  	s0 =	sand.u32 $0x1, s1  }
0x8c: {  	s17 =	sshll.u32 s0, $0xA;
	s2 =	sadd.s32 s3, s2  }
0x8d: {  	s2 =	sadd.s32 s2, s17  }
0x8e: {  	[smem:$0x3FC0] =	sst s2  }
0x8f: {  	_ = 	snop  }
0x90: {  	s2 =	sld [smem:$0x3FD0];
	(tm) =	ssettm $0x1  }
0x91: {  	s18 =	sld [smem:$0x3FFB];
	_ =	sdelay $0x3  }
0x92: {  	_ =	strace s18  }
0x93: {  	s3 =	sld [smem:$0x3FFC];
	_ =	sdelay $0x3  }
0x94: {  	_ =	strace s3  }
0x95: {  	s3 =	sld [smem:$0x3FFD];
	_ =	sdelay $0x3  }
0x96: {  	_ =	strace s3  }
0x97: {  	_ =	strace $0x8FFFFFFF  }
0x98: {  	s19 =	sld [smem:$0x3FDB];
	_ =	sdelay $0x1  }
0x99: {  	s4 =	simm.s32 $_scs_section_size  }
0x9a: {  	s5 =	simm.s32 $_size__tile_overlayer_lowered;
	s6 =	simm.s32 $_tile_overlayer_lowered  }
0x9b: {  	s22 =	simm.s32 $0x1BFF;
	s21 =	sshll.u32 s6, $0x1;
	s3 =	sadd.s32 s4, s19  }
0x9c: {  	s7 =	simm.s32 $0x0;
	s20 =	sshll.u32 s5, $0x1;
	s5 =	sadd.s32 s21, s3  }
0x9d: {  	[timem:s7], [sflag:s22] =	dma.local [hbm:s5], s20  }
0x9e: {  	_ =	swait.ge [sflag:s22], s20  }
0x9f: {  	s4 =	ssub.s32 $0x0, s20;
	[sflag:s22] =	ssyncset.done $0x0  }
0xa0: {  	[sflag:s22] =	ssyncadd.s32 s4;
	_ =	sdelay $0x1  }
0xa1: {  	s23 =	simm.s32 $0x1B8B  }
0xa2: {  	_ =	swait.ge [sflag:s23], $0x1  }
0xa3: {  	[sflag:s23] =	ssyncset.done $0x0  }
0xa4: {  	s25 =	simm.s32 $0x1B8E;
	s24 =	sld [smem:$0x3FFE];
	[sflag:s23] =	ssyncadd.s32 $0xFFFFFFFF  }
0xa5: {  	s26 =	simm.s32 $execute0_lowered;
	[smem:$0x3FD2] =	sst s25  }
0xa6: {  	s5 =	sshll.u32 s26, $0x1;
	_ =	strace $0x80000046;
	[dreg:$0x1] =	wrdreg $0xFFFFFFFF  }
0xa7: {  	s28 =	simm.s32 $_size_execute0_lowered;
	s3 =	sadd.s32 s3, s5;
	[dreg:$0x0] =	wrdreg $0x0  }
0xa8: {  	s5 =	sshll.u32 s28, $0x1;
	[dreg:$0x2] =	wrdreg s3  }
0xa9: {  	[dreg:$0x3] =	wrdreg s5  }
0xaa: {  	[dreg:$0x4] =	wrdreg $0xC0  }
0xab: {  	_ =	task [dreg:s7], $0x5FFFF  }
0xac: {  	[dreg:$0x1] =	wrdreg $0xFFFFFFFF  }
0xad: {  	[dreg:$0x0] =	wrdreg $0x60  }
0xae: {  	[dreg:$0x2] =	wrdreg s24  }
0xaf: {  	[dreg:$0x3] =	wrdreg s2  }
0xb0: {  	[dreg:$0x4] =	wrdreg $0x9  }
0xb1: {  	_ =	task.clear_ibuf [dreg:s7], $0x5FFFF;
	_ =	strace $0x90000046  }
0xb2: {  	s29 =	simm.s32 $0x9;
	_ =	strace $0x80000048  }
0xb3: {  	_ =	swait.ge [sflag:s29], $0x1  }
0xb4: {  	[sflag:s29] =	ssyncadd.s32 $0xFFFFFFFF  }
0xb5: {  	_ =	strace $0x90000048  }
0xb6: {  	_ =	sfence  }
0xb7: {  	s30 =	sld [smem:$0x0];
	_ =	sdelay $0x2  }
0xb8: {  	s31 =	sshll.u32 s1, $0xD;
	s1 =	sshrl.u32 s1, $0x2  }
0xb9: {  	s3 =	sand.u32 $0x4000, s31;
	s1 =	sadd.s32 s1, s30  }
0xba: {  	s0 =	sor.u32 s3, s0;
	s1 =	sshll.u32 s1, $0x11  }
0xbb: {  	s0 =	sor.u32 s1, s0  }
0xbc: {  	s0 =	sadd.s32 $0x8F2B, s0  }
0xbd: {  	[sflag:s0] =	ssyncadd.remote.s32 $0x1  }
0xbe: {  	_ =	sfence.sel $0xFFFF  }
0xbf: {  	[dreg:$0x0] =	wrdreg $0xFFFFFFFF;
	(pc) =	sbr.abs _section_cstart, $3  }
0xc0: {  	[dreg:$0x1] =	wrdreg $0xFFFFFFFF  }
0xc1: {  	_ =	task.clear_ibuf [dreg:s7], $0x2FFFF;
	_ =	strace $0x9FFFFFFF  }
0xc2: {  	(tm) =	ssettm $0x7FFFFFFF  }
0xc3: {  	_ =	shalt  }
tec
execute0_lowered:
.L_overlay_start_1:
0x0: {  	(tag) =	ssettag $0x1  }
0x1: {  	s0 =	srdreg.scid;
	s4 =	rddreg [dreg:$0x0]  }
0x2: {  	s5 =	rddreg [dreg:$0x1];
	s2 =	simm.s32 $0x0;
	s3 =	sand.u32 $0x1, s0  }
0x3: {  	s10 =	simm.s32 $0x4F00;
	s0 =	stileid.u32;
	s1 =	sshll.u32 s3, $0x4  }
0x4: {  	s11 =	simm.s32 $0x7700;
	s12 =	simm.s32 $0x80;
	s6 =	sor.u32 s0, s1  }
0x5: {  	s13 =	simm.s32 $0x400;
	s14 =	simm.s32 $0x0;
	s7 =	sshrl.u32 s6, $0x3  }
0x6: {  	[smem:$0x7FF] =	sst s2;
	s8 =	sshll.u32 s0, $0x7;
	s7 =	smul.u32 $0x14000, s7  }
0x7: {  	s3 =	ssub.s32 $0x2, s3;
	s8 =	sand.u32 $0x380, s8;
	s6 =	smul.u32 $0x4F0, s6  }
0x8: {  	s1 =	rddreg [dreg:$0x2];
	_ =	strace $0x80000047;
	s7 =	sor.u32 s8, s7  }
0x9: {  	s31 =	sshrl.u32 s3, $0x1;
	s6 =	sadd.s32 s6, s4;
	s7 =	sshrl.u32 s7, $0x3  }
0xa: {  	s8 =	ssub.s32 s3, s31;
	s3 =	sadd.s32 $0xD200, s6;
	s9 =	sadd.s32 s7, s4  }
0xb: {  	s4 =	sadd.s32 $0x3400, s6;
	s5 =	sadd.s32 s5, s7;
	s7 =	smax.u32 s8, $0x1  }
0xc: {  	v0 =	vimm.f32 $0.0e+00;
	v1 =	vimm.f32 $1.000000000e+00;
	s8 =	simm.s32 $0x1;
	s6 =	sadd.s32 $0x17000, s9;
	s9 =	simm.s32 $0x2780  }
.LBB2_1:
0xd: {  	[tilespmem:s2], [sflag:$0x1] =	stream.linear.gather [hbm4b:s3+s2], $0x2780, $0x38;
	[tilespmem:$0x9F00] =	vst v63  }
0xe: {  	_ =	swait.ge [sflag:s8], $0x2780  }
0xf: {  	[sflag:s8] =	ssyncset.done $0x0  }
0x10: {  	[sflag:s8] =	ssyncadd.s32 $0xFFFFD880  }
0x11: {  	[tilespmem:s9], [sflag:$0x1] =	stream.linear.gather [hbm4b:s4+s2], $0x2780, $0x38;
	[tilespmem:$0x9F00] =	vst v63  }
0x12: {  	_ =	swait.ge [sflag:s8], $0x2780  }
0x13: {  	[sflag:s8] =	ssyncset.done $0x0  }
0x14: {  	s15 =	simm.s32 $0x0;
	[sflag:s8] =	ssyncadd.s32 $0xFFFFD880  }
.LBB2_2:
0x15: {  	p0 =	sne.s32 s15, $0x9FC0  }
.Ltmp0:
0x16: {  	_ = 	snop;
	(pc) =	sbr.rel @p0 .LBB2_2-.Ltmp0, $4  }
0x17: {  	_ = 	snop  }
0x18: {  	s16 =	sshra.s32 s15, $0x2  }
0x19: {  	[tilespmem:s16+$0x4F00] =	vst v0  }
0x1a: {  	s15 =	sadd.s32 $0x40, s15;
	[tilespmem:s16+$0x7700] =	vst v0  }
0x1b: {  	s16 =	simm.s32 $0x0  }
0x1c: {  	s15 =	simm.s32 $0x40;
	v2 =	vld [tilespmem:s16+$0x0]  }
.LBB2_4:
0x1d: {  	p0 =	sne.s32 s15, $0x9DC0;
	v3 =	vld [tilespmem:s16+$0x2780];
	_ =	sdelay $0x4  }
.Ltmp1:
0x1e: {  	(pc) =	sbr.rel @p0 .LBB2_4-.Ltmp1, $4  }
0x1f: {  	_ = 	snop  }
0x20: {  	[tilespmem:v2+s10+$0x0] =	vst.idx.add.f32.msk $0xffff, v1  }
0x21: {  	s16 =	sshra.s32 s15, $0x2;
	[tilespmem:v3+s11+$0x0] =	vst.idx.add.f32.msk $0xffff, v1  }
0x22: {  	s15 =	sadd.s32 $0x40, s15;
	v2 =	vld [tilespmem:s16+$0x0]  }
0x23: {  	_ = 	snop  }
0x24: {  	v3 =	vld [tilespmem:s16+$0x2780];
	_ =	sdelay $0x6  }
0x25: {  	[tilespmem:v2+s10+$0x0] =	vst.idx.add.f32.msk $0xffff, v1  }
0x26: {  	[tilespmem:v3+s11+$0x0] =	vst.idx.add.f32.msk $0xffff, v1  }
0x27: {  	[hbm4b:s5+s12] =	stream.strided.scatter [tilespmem:s10], [sflag:$0x1], $0x2800, s13, s12, $0x38;
	[tilespmem:$0x9F00] =	vst v63  }
0x28: {  	s14 =	sadd.s32 $0x1, s14;
	_ =	swait.ge [sflag:s8], $0x2800  }
0x29: {  	p0 =	sne.s32 s14, s7;
	[sflag:s8] =	ssyncset.done $0x0  }
.Ltmp2:
0x2a: {  	[sflag:s8] =	ssyncadd.s32 $0xFFFFD800;
	(pc) =	sbr.rel @p0 .LBB2_1-.Ltmp2, $4  }
0x2b: {  	[hbm4b:s6+s12] =	stream.strided.scatter [tilespmem:s11], [sflag:$0x1], $0x2800, s13, s12, $0x38;
	[tilespmem:$0x9F00] =	vst v63  }
0x2c: {  	_ =	swait.ge [sflag:s8], $0x2800  }
0x2d: {  	[sflag:s8] =	ssyncset.done $0x0  }
0x2e: {  	[sflag:s8] =	ssyncadd.s32 $0xFFFFD800  }
0x2f: {  	_ =	sfence.sel $0x180000  }
0x30: {  	[bflag:$0x0] =	sbarrier.arrive $0xFFFF  }
0x31: {  	p0 =	sne.s32 s0, $0x0;
	_ =	strace $0x90000047  }
0x32: {  	s0 =	sadd.s32 @!p0 $0x100000, s1;
	[bflag:$0x2] =	sbarrier.arrive $0xFFFF  }
0x33: {  	[sflag:s0] =	ssyncadd.tile.s32 @!p0 $0x1;
	_ =	shalt  }
.Lfunc_end2:
_tile_overlayer_lowered:
.L_overlay_start_2:
0x34: {  	(tag) =	ssettag $0x2  }
0x35: {  	s0 =	rddreg [dreg:$0x0];
	s2 =	stileid.u32  }
0x36: {  	s1 =	rddreg [dreg:$0x1];
	p0 =	sne.s32 s2, $0x0  }
0x37: {  	s3 =	rddreg [dreg:$0x2];
	[bflag:$0x3] =	sbarrier.arrive $0xFFFF;
	s2 =	simm.s32 @!p0 $0x1C01  }
0x38: {  	[timem:s3], [sflag:s2] =	dma.local @!p0 [hbm:s0], s1  }
0x39: {  	s0 =	simm.s32 @!p0 $0x1  }
0x3a: {  	_ =	swait.ge @!p0 [sflag:s0], s1  }
0x3b: {  	s1 =	ssub.s32 @!p0 $0x0, s1;
	[sflag:s0] =	ssyncset.done @!p0 $0x0  }
0x3c: {  	[sflag:s0] =	ssyncadd.s32 @!p0 s1  }
0x3d: {  	[bflag:$0x3] =	sbarrier.arrive $0xFFFF  }
0x3e: {  	_ =	shalt  }

// kernel: kernel.13.cloned.1.call-start
scs
__scs_entry_jumppad:
0x0: {  	(pc) =	sbr.rel $0x88, $3  }
0x1: {  	(tag) =	ssettag $0x0;
	lr =	simm.s32 $0x1  }
0x2: {  	[smem:$0x3F99] =	sst lr;
	_ =	strace $0xD0000000  }
0x3: {  	_ = 	snop  }
0x4: {  	_ = 	snop  }
0x5: {  	_ = 	snop  }
0x6: {  	_ = 	snop  }
0x7: {  	_ = 	snop  }
__scs_overlays_trampoline_lowered:
0x8: {  	[smem:$0x3FA8] =	sst s0  }
0x9: {  	[smem:$0x3FA9] =	sst s1  }
0xa: {  	[smem:$0x3FAA] =	sst s2  }
0xb: {  	[smem:$0x3FAB] =	sst s3  }
0xc: {  	[smem:$0x3FAC] =	sst s4  }
0xd: {  	[smem:$0x3FAD] =	sst s5  }
0xe: {  	[smem:$0x3FAE] =	sst s6  }
0xf: {  	[smem:$0x3FAF] =	sst s7  }
0x10: {  	[smem:$0x3FB0] =	sst s8  }
0x11: {  	[smem:$0x3FB1] =	sst s9;
	s0 =	simm.s32 @!p0 $0x0  }
0x12: {  	s1 =	sld [smem:$0x3F97];
	s0 =	simm.s32 @p0 $0x1  }
0x13: {  	[smem:$0x3FB2] =	sst s0;
	s0 =	simm.s32 @!p1 $0x0  }
0x14: {  	s2 =	sld [smem:$0x3F96];
	s0 =	simm.s32 @p1 $0x1  }
0x15: {  	[smem:$0x3FB3] =	sst s0;
	s0 =	simm.s32 @!p2 $0x0  }
0x16: {  	s3 =	sld [smem:$0x3FDB];
	s0 =	simm.s32 @p2 $0x1  }
0x17: {  	s4 =	simm.s32 $0x1BF5;
	[smem:$0x3FB5] =	sst s0  }
0x18: {  	s0 =	sld [smem:$0x3F98];
	_ =	swait.ge [sflag:s4], $0x0  }
0x19: {  	s7 =	sld [smem:$0x3F99]  }
0x1a: {  	s8 =	sadd.s32 $0xFFFFE003, lr  }
0x1b: {  	s9 =	sadd.s32 $0xFFFFFEF7, lr;
	s5 =	simm.s32 $0xFFFFFFFF;
	p2 =	slt.u32 s8, $0xFFFFF086  }
0x1c: {  	p1 =	slt.u32 s9, $0xF7A;
	s5 =	simm.s32 @!p2 $0x0  }
0x1d: {  	s5 =	simm.s32 @p1 $0x1;
	p0 =	seq.s32 s7, s2  }
0x1e: {  	s7 =	smul.u32 @!p0 $0xF7A, s2;
	p2 =	seq.s32 @!p0 s5, $0x0  }
0x1f: {  	s9 =	smul.u32 $0xF7A, s1;
	s8 =	simm.s32 @!p0 $0x1BF5;
	p2 =	por !p2, p0  }
0x20: {  	[sflag:s8] =	ssyncset.s32 @!p0 $0xFFFFF086;
	s6 =	sadd.s32 @!p0 s3, s7;
	s7 =	simm.s32 @!p0 $0x108  }
0x21: {  	s3 =	sadd.s32 s3, s9;
	s6 =	sadd.s32 @!p0 $0x88, s6;
	s7 =	simm.s32 @p2 $0x1082  }
0x22: {  	[simem:s7], [sflag:s8] =	dma.local @!p0 [hbm:s6], $0xF7A  }
0x23: {  	s9 =	sor.u32 $0xD0000000, s2;
	s6 =	simm.s32 $0x108;
	_ =	swait.ge @!p0 [sflag:s8], $0x0  }
0x24: {  	s3 =	sadd.s32 $0x88, s3;
	s6 =	simm.s32 @!p1 $0x1082;
	[sflag:s4] =	ssyncset.s32 $0xFFFFF086  }
0x25: {  	[simem:s6], [sflag:s4] =	dma.local [hbm:s3], $0xF7A  }
0x26: {  	[smem:$0x3F99] =	sst s1;
	(tag) =	ssettag s2;
	_ =	strace s9  }
0x27: {  	s1 =	sld [smem:$0x3FA9]  }
0x28: {  	s2 =	sld [smem:$0x3FAA]  }
0x29: {  	s4 =	sld [smem:$0x3FAC]  }
0x2a: {  	p0 =	seq.s32 s5, $0x0;
	s5 =	sld [smem:$0x3FAD]  }
0x2b: {  	s6 =	sld [smem:$0x3FAE]  }
0x2c: {  	s7 =	sld [smem:$0x3FAF]  }
0x2d: {  	s3 =	simm.s32 $0x108;
	s8 =	sld [smem:$0x3FB0]  }
0x2e: {  	s3 =	simm.s32 @!p0 $0x1082;
	s9 =	sld [smem:$0x3FB1]  }
0x2f: {  	lr =	sadd.s32 s0, s3;
	s0 =	sld [smem:$0x3FA8]  }
0x30: {  	s3 =	sld [smem:$0x3FAB]  }
0x31: {  	[smem:$0x3FB4] =	sst s10  }
0x32: {  	s10 =	sld [smem:$0x3FB2];
	_ =	sdelay $0x3  }
0x33: {  	p0 =	seq.s32 s10, $0x1;
	s10 =	sld [smem:$0x3FB4];
	_ =	sdelay $0x3  }
0x34: {  	[smem:$0x3FB4] =	sst s10  }
0x35: {  	s10 =	sld [smem:$0x3FB3];
	_ =	sdelay $0x3  }
0x36: {  	p1 =	seq.s32 s10, $0x1;
	s10 =	sld [smem:$0x3FB4];
	_ =	sdelay $0x3  }
0x37: {  	[smem:$0x3FB4] =	sst s10  }
0x38: {  	s10 =	sld [smem:$0x3FB5]  }
0x39: {  	_ = 	snop;
	(pc) =	sbr.ind lr, $3  }
0x3a: {  	_ = 	snop  }
0x3b: {  	_ = 	snop  }
0x3c: {  	p2 =	seq.s32 s10, $0x1;
	s10 =	sld [smem:$0x3FB4]  }
0x3d: {  	_ =	shalt  }
0x3e: {  	_ =	shalt  }
0x3f: {  	_ =	shalt  }
0x40: {  	_ =	shalt  }
0x41: {  	_ =	shalt  }
0x42: {  	_ =	shalt  }
0x43: {  	_ =	shalt  }
0x44: {  	_ =	shalt  }
0x45: {  	_ =	shalt  }
0x46: {  	_ =	shalt  }
0x47: {  	_ =	shalt  }
0x48: {  	_ =	shalt  }
0x49: {  	_ =	shalt  }
0x4a: {  	_ =	shalt  }
0x4b: {  	_ =	shalt  }
0x4c: {  	_ =	shalt  }
0x4d: {  	_ =	shalt  }
0x4e: {  	_ =	shalt  }
0x4f: {  	_ =	shalt  }
0x50: {  	_ =	shalt  }
0x51: {  	_ =	shalt  }
0x52: {  	_ =	shalt  }
0x53: {  	_ =	shalt  }
0x54: {  	_ =	shalt  }
0x55: {  	_ =	shalt  }
0x56: {  	_ =	shalt  }
0x57: {  	_ =	shalt  }
0x58: {  	_ =	shalt  }
0x59: {  	_ =	shalt  }
0x5a: {  	_ =	shalt  }
0x5b: {  	_ =	shalt  }
0x5c: {  	_ =	shalt  }
0x5d: {  	_ =	shalt  }
0x5e: {  	_ =	shalt  }
0x5f: {  	_ =	shalt  }
0x60: {  	_ =	shalt  }
0x61: {  	_ =	shalt  }
0x62: {  	_ =	shalt  }
0x63: {  	_ =	shalt  }
0x64: {  	_ =	shalt  }
0x65: {  	_ =	shalt  }
0x66: {  	_ =	shalt  }
0x67: {  	_ =	shalt  }
0x68: {  	_ =	shalt  }
0x69: {  	_ =	shalt  }
0x6a: {  	_ =	shalt  }
0x6b: {  	_ =	shalt  }
0x6c: {  	_ =	shalt  }
0x6d: {  	_ =	shalt  }
0x6e: {  	_ =	shalt  }
0x6f: {  	_ =	shalt  }
0x70: {  	_ =	shalt  }
0x71: {  	_ =	shalt  }
0x72: {  	_ =	shalt  }
0x73: {  	_ =	shalt  }
0x74: {  	_ =	shalt  }
0x75: {  	_ =	shalt  }
0x76: {  	_ =	shalt  }
0x77: {  	_ =	shalt  }
0x78: {  	_ =	shalt  }
0x79: {  	_ =	shalt  }
0x7a: {  	_ =	shalt  }
0x7b: {  	_ =	shalt  }
0x7c: {  	_ =	shalt  }
0x7d: {  	_ =	shalt  }
0x7e: {  	_ =	shalt  }
0x7f: {  	_ =	shalt  }
0x80: {  	_ =	shalt  }
0x81: {  	_ =	shalt  }
0x82: {  	_ =	shalt  }
0x83: {  	_ =	shalt  }
0x84: {  	_ =	shalt  }
0x85: {  	_ =	shalt  }
0x86: {  	_ =	shalt  }
0x87: {  	_ =	shalt  }
.Lfunc_end0:
.L_simem_size_0:
called_computation.1_lowered:
.L_overlay_start_0:
0x88: {  	s2 =	sld [smem:$0x3FD9]  }
0x89: {  	s3 =	sld [smem:$0x3FFE];
	_ =	sdelay $0x1  }
0x8a: {  	s1 =	srdreg.scid  }
0x8b: {  	s0 =	sand.u32 $0x1, s1  }
0x8c: {  	s16 =	sshll.u32 s0, $0xA;
	s2 =	sadd.s32 s3, s2  }
0x8d: {  	s2 =	sadd.s32 s2, s16  }
0x8e: {  	[smem:$0x3FC0] =	sst s2  }
0x8f: {  	_ = 	snop  }
0x90: {  	(tm) =	ssettm $0x1  }
0x91: {  	s17 =	sld [smem:$0x3FFB];
	_ =	sdelay $0x3  }
0x92: {  	_ =	strace s17  }
0x93: {  	s2 =	sld [smem:$0x3FFC];
	_ =	sdelay $0x3  }
0x94: {  	_ =	strace s2  }
0x95: {  	s2 =	sld [smem:$0x3FFD];
	_ =	sdelay $0x3  }
0x96: {  	_ =	strace s2  }
0x97: {  	_ =	strace $0x8FFFFFFF  }
0x98: {  	s18 =	sld [smem:$0x3FDB];
	_ =	sdelay $0x1  }
0x99: {  	s19 =	simm.s32 $_scs_section_size  }
0x9a: {  	s4 =	simm.s32 $_size__tile_overlayer_lowered;
	s5 =	simm.s32 $_tile_overlayer_lowered  }
0x9b: {  	s22 =	simm.s32 $0x1BFF;
	s21 =	sshll.u32 s5, $0x1;
	s2 =	sadd.s32 s19, s18  }
0x9c: {  	s6 =	simm.s32 $0x0;
	s20 =	sshll.u32 s4, $0x1;
	s4 =	sadd.s32 s21, s2  }
0x9d: {  	[timem:s6], [sflag:s22] =	dma.local [hbm:s4], s20  }
0x9e: {  	_ =	swait.ge [sflag:s22], s20  }
0x9f: {  	s3 =	ssub.s32 $0x0, s20;
	[sflag:s22] =	ssyncset.done $0x0  }
0xa0: {  	[sflag:s22] =	ssyncadd.s32 s3;
	_ =	sdelay $0x1  }
0xa1: {  	s23 =	simm.s32 $0x1B8B  }
0xa2: {  	_ =	swait.ge [sflag:s23], $0x1  }
0xa3: {  	[sflag:s23] =	ssyncset.done $0x0  }
0xa4: {  	s25 =	simm.s32 $0x1B8E;
	s24 =	sld [smem:$0x3FFE];
	[sflag:s23] =	ssyncadd.s32 $0xFFFFFFFF  }
0xa5: {  	s26 =	simm.s32 $execute0_lowered;
	[smem:$0x3FD2] =	sst s25  }
0xa6: {  	s4 =	sshll.u32 s26, $0x1;
	_ =	strace $0x80000049;
	[dreg:$0x1] =	wrdreg $0xFFFFFFFF  }
0xa7: {  	s28 =	simm.s32 $_size_execute0_lowered;
	s2 =	sadd.s32 s2, s4;
	[dreg:$0x0] =	wrdreg $0x0  }
0xa8: {  	s4 =	sshll.u32 s28, $0x1;
	[dreg:$0x2] =	wrdreg s2  }
0xa9: {  	[dreg:$0x3] =	wrdreg s4  }
0xaa: {  	[dreg:$0x4] =	wrdreg $0xC0  }
0xab: {  	_ =	task [dreg:s6], $0x5FFFF  }
0xac: {  	[dreg:$0x1] =	wrdreg $0xFFFFFFFF  }
0xad: {  	[dreg:$0x0] =	wrdreg $0x60  }
0xae: {  	[dreg:$0x2] =	wrdreg s24  }
0xaf: {  	[dreg:$0x3] =	wrdreg $0x81000  }
0xb0: {  	[dreg:$0x4] =	wrdreg $0x9  }
0xb1: {  	_ =	task.clear_ibuf [dreg:s6], $0x5FFFF;
	_ =	strace $0x90000049  }
0xb2: {  	s29 =	simm.s32 $0x9;
	_ =	strace $0x8000004B  }
0xb3: {  	_ =	swait.ge [sflag:s29], $0x1  }
0xb4: {  	[sflag:s29] =	ssyncadd.s32 $0xFFFFFFFF  }
0xb5: {  	_ =	strace $0x9000004B  }
0xb6: {  	_ =	sfence  }
0xb7: {  	s30 =	sld [smem:$0x0];
	_ =	sdelay $0x2  }
0xb8: {  	s31 =	sshll.u32 s1, $0xD;
	s1 =	sshrl.u32 s1, $0x2  }
0xb9: {  	s3 =	sand.u32 $0x4000, s31;
	s1 =	sadd.s32 s1, s30  }
0xba: {  	s0 =	sor.u32 s3, s0;
	s1 =	sshll.u32 s1, $0x11  }
0xbb: {  	s0 =	sor.u32 s1, s0  }
0xbc: {  	s0 =	sadd.s32 $0x8F2B, s0  }
0xbd: {  	[sflag:s0] =	ssyncadd.remote.s32 $0x1  }
0xbe: {  	_ =	sfence.sel $0xFFFF  }
0xbf: {  	[dreg:$0x0] =	wrdreg $0xFFFFFFFF;
	(pc) =	sbr.abs _section_cstart, $3  }
0xc0: {  	[dreg:$0x1] =	wrdreg $0xFFFFFFFF  }
0xc1: {  	_ =	task.clear_ibuf [dreg:s6], $0x2FFFF;
	_ =	strace $0x9FFFFFFF  }
0xc2: {  	(tm) =	ssettm $0x7FFFFFFF  }
0xc3: {  	_ =	shalt  }
tec
execute0_lowered:
.L_overlay_start_1:
0x0: {  	(tag) =	ssettag $0x1  }
0x1: {  	s5 =	rddreg [dreg:$0x0];
	s0 =	srdreg.scid  }
0x2: {  	s2 =	rddreg [dreg:$0x1];
	s1 =	stileid.u32;
	s3 =	simm.s32 $0x0  }
0x3: {  	s15 =	simm.s32 $0x1;
	s16 =	simm.s32 $0x80;
	s7 =	smul.u32 $0x14000, s1  }
0x4: {  	s17 =	simm.s32 $0x100;
	s20 =	simm.s32 $0x0;
	s9 =	smul.u32 $0x50000, s1  }
0x5: {  	s6 =	sand.u32 $0x1, s0;
	s0 =	rddreg [dreg:$0x2];
	s12 =	smul.u32 $0x4F0, s1  }
0x6: {  	[smem:$0x7FF] =	sst s3;
	s18 =	sshll.u32 s1, $0x6;
	s4 =	smul.u32 $0x140000, s6  }
0x7: {  	s8 =	smul.u32 $0x4F00, s6;
	_ =	strace $0x8000004A;
	s6 =	ssub.s32 $0x2, s6  }
0x8: {  	s18 =	sor.u32 $0x1C01, s18;
	s30 =	sshrl.u32 s9, $0x2;
	s31 =	sshrl.u32 s6, $0x1  }
0x9: {  	s7 =	sadd.s32 s7, s4;
	s4 =	sadd.s32 $0x17000, s5;
	s10 =	sadd.s32 s8, s5  }
0xa: {  	s13 =	ssub.s32 s6, s31;
	s7 =	sshrl.u32 s7, $0x3;
	s14 =	sadd.s32 s12, s10  }
0xb: {  	s11 =	sadd.s32 s7, s5;
	s5 =	sadd.s32 s30, s2;
	s12 =	sadd.s32 $0x3400, s14  }
0xc: {  	s6 =	sadd.s32 $0x4000, s5;
	s7 =	sadd.s32 $0x8000, s5;
	s8 =	sadd.s32 $0xC000, s5  }
0xd: {  	s9 =	sadd.s32 $0x10000, s5;
	s10 =	sadd.s32 $0x67000, s11;
	s11 =	smax.u32 s13, $0x1  }
0xe: {  	v0 =	vimm.f32 $0.0e+00;
	s13 =	sadd.s32 $0xD200, s14;
	s14 =	simm.s32 $0x4100;
	s19 =	sshrl.u32 s5, $0x3  }
.LBB2_1:
0xf: {  	s21 =	sand.u32 $0xFE00, s3  }
0x10: {  	s22 =	sand.u32 $0x70, s3;
	s23 =	sshrl.u32 s21, $0x2  }
0x11: {  	s21 =	simm.s32 $0x40;
	s23 =	sor.u32 s22, s23;
	s22 =	simm.s32 $0x0  }
.LBB2_2:
0x12: {  	p0 =	sne.s32 s21, $0xFFC0  }
0x13: {  	[tilespmem:s23+$0x4100] =	vst v0;
	s22 =	sadd.s32 $0x10, s22;
	s23 =	smov.u32 s21;
	s21 =	sadd.s32 $0x40, s21  }
.Ltmp0:
0x14: {  	(pc) =	sbr.rel @p0 .LBB2_2-.Ltmp0, $4  }
0x15: {  	_ = 	snop  }
0x16: {  	s23 =	sand.u32 $0xFE00, s23  }
0x17: {  	s24 =	sand.u32 $0x70, s22;
	s23 =	sshrl.u32 s23, $0x2  }
0x18: {  	s23 =	sor.u32 s24, s23  }
0x19: {  	[tilespmem:s23+$0x4100] =	vst v0  }
0x1a: {  	[spmem:s5] =	stream.linear.scatter [tilespmem:s14], [sflag:$0x1], $0x4000, $0x38;
	[tilespmem:$0x1C100] =	vst v63  }
0x1b: {  	_ =	swait.ge [sflag:s15], $0x4000  }
0x1c: {  	[sflag:s15] =	ssyncset.done $0x0  }
0x1d: {  	[sflag:s15] =	ssyncadd.s32 $0xFFFFC000  }
0x1e: {  	[spmem:s6] =	stream.linear.scatter [tilespmem:s14], [sflag:$0x1], $0x4000, $0x38;
	[tilespmem:$0x1C100] =	vst v63  }
0x1f: {  	_ =	swait.ge [sflag:s15], $0x4000  }
0x20: {  	[sflag:s15] =	ssyncset.done $0x0  }
0x21: {  	[sflag:s15] =	ssyncadd.s32 $0xFFFFC000  }
0x22: {  	[spmem:s7] =	stream.linear.scatter [tilespmem:s14], [sflag:$0x1], $0x4000, $0x38;
	[tilespmem:$0x1C100] =	vst v63  }
0x23: {  	_ =	swait.ge [sflag:s15], $0x4000  }
0x24: {  	[sflag:s15] =	ssyncset.done $0x0  }
0x25: {  	[sflag:s15] =	ssyncadd.s32 $0xFFFFC000  }
0x26: {  	[spmem:s8] =	stream.linear.scatter [tilespmem:s14], [sflag:$0x1], $0x4000, $0x38;
	[tilespmem:$0x1C100] =	vst v63  }
0x27: {  	_ =	swait.ge [sflag:s15], $0x4000  }
0x28: {  	[sflag:s15] =	ssyncset.done $0x0  }
0x29: {  	[sflag:s15] =	ssyncadd.s32 $0xFFFFC000  }
0x2a: {  	[spmem:s9] =	stream.linear.scatter [tilespmem:s14], [sflag:$0x1], $0x4000, $0x38;
	[tilespmem:$0x1C100] =	vst v63  }
0x2b: {  	_ =	swait.ge [sflag:s15], $0x4000  }
0x2c: {  	[sflag:s15] =	ssyncset.done $0x0  }
0x2d: {  	[sflag:s15] =	ssyncadd.s32 $0xFFFFC000  }
0x2e: {  	s21 =	sadd.s32 $0x0, s13;
	[bflag:$0x0] =	sbarrier.arrive $0xFFFF  }
0x2f: {  	[tilespmem:s3], [sflag:$0x1] =	stream.linear.gather [hbm4b:s21+s3], $0x80, $0x38;
	[tilespmem:$0x1C100] =	vst v63  }
0x30: {  	_ =	swait.ge [sflag:s15], $0x80  }
0x31: {  	[sflag:s15] =	ssyncset.done $0x0  }
0x32: {  	s31 =	sadd.s32 $0x0, s12;
	[sflag:s15] =	ssyncadd.s32 $0xFFFFFF80  }
0x33: {  	[tilespmem:s16], [sflag:$0x1] =	stream.linear.gather [hbm4b:s31+s3], $0x80, $0x38;
	[tilespmem:$0x1C100] =	vst v63  }
0x34: {  	_ =	swait.ge [sflag:s15], $0x80  }
0x35: {  	[sflag:s15] =	ssyncset.done $0x0  }
0x36: {  	[sflag:s15] =	ssyncadd.s32 $0xFFFFFF80  }
0x37: {  	[tilespmem:s17], [sflag:$0x1] =	stream.indirect.gather [hbm4b:s4+s16], $0x80, s3, s16, $0xb8;
	[tilespmem:$0x1C100] =	vst v63  }
0x38: {  	_ =	swait.ge [sflag:s15], $0x4000  }
0x39: {  	[sflag:s15] =	ssyncset.done $0x0  }
0x3a: {  	[sflag:s15] =	ssyncadd.s32 $0xFFFFC000  }
0x3b: {  	[spmem:s2] =	stream.indirect.scatter.add.f32 [tilespmem:s17], [sflag:$0x1], $0x80, s16, s16, $0xb8;
	[tilespmem:$0x1C100] =	vst v63  }
0x3c: {  	_ =	swait.ge [sflag:s15], $0x4000  }
0x3d: {  	s22 =	simm.s32 $0x20;
	s21 =	simm.s32 $0x10;
	[sflag:s15] =	ssyncset.done $0x0  }
.LBB2_4:
0x3e: {  	s23 =	sadd.s32 s21, s13  }
0x3f: {  	[sflag:s15] =	ssyncadd.s32 $0xFFFFC000;
	s24 =	smov.u32 s22;
	s25 =	sadd.s32 $0x10, s22  }
0x40: {  	[tilespmem:s3], [sflag:$0x1] =	stream.linear.gather [hbm4b:s23+s3], $0x80, $0x38;
	[tilespmem:$0x1C100] =	vst v63  }
0x41: {  	p0 =	sne.s32 s22, $0x4E0;
	_ =	swait.ge [sflag:s15], $0x80  }
0x42: {  	[sflag:s15] =	ssyncset.done $0x0  }
0x43: {  	s22 =	sadd.s32 s21, s12;
	s21 =	smov.u32 s24;
	[sflag:s15] =	ssyncadd.s32 $0xFFFFFF80  }
0x44: {  	[tilespmem:s16], [sflag:$0x1] =	stream.linear.gather [hbm4b:s22+s3], $0x80, $0x38;
	[tilespmem:$0x1C100] =	vst v63  }
0x45: {  	_ =	swait.ge [sflag:s15], $0x80  }
0x46: {  	[sflag:s15] =	ssyncset.done $0x0  }
0x47: {  	[sflag:s15] =	ssyncadd.s32 $0xFFFFFF80  }
0x48: {  	[tilespmem:s17], [sflag:$0x1] =	stream.indirect.gather [hbm4b:s4+s16], $0x80, s3, s16, $0xb8;
	[tilespmem:$0x1C100] =	vst v63  }
0x49: {  	_ =	swait.ge [sflag:s15], $0x4000  }
.Ltmp1:
0x4a: {  	[sflag:s15] =	ssyncset.done $0x0;
	(pc) =	sbr.rel @p0 .LBB2_4-.Ltmp1, $4  }
0x4b: {  	[sflag:s15] =	ssyncadd.s32 $0xFFFFC000  }
0x4c: {  	[spmem:s2] =	stream.indirect.scatter.add.f32 [tilespmem:s17], [sflag:$0x1], $0x80, s16, s16, $0xb8;
	[tilespmem:$0x1C100] =	vst v63  }
0x4d: {  	_ =	swait.ge [sflag:s15], $0x4000  }
0x4e: {  	s22 =	smov.u32 s25;
	[sflag:s15] =	ssyncset.done $0x0  }
0x4f: {  	s22 =	sadd.s32 s21, s13;
	[sflag:s15] =	ssyncadd.s32 $0xFFFFC000  }
0x50: {  	[tilespmem:s3], [sflag:$0x1] =	stream.linear.gather [hbm4b:s22+s3], $0x80, $0x38;
	[tilespmem:$0x1C100] =	vst v63  }
0x51: {  	_ =	swait.ge [sflag:s15], $0x80  }
0x52: {  	[sflag:s15] =	ssyncset.done $0x0  }
0x53: {  	s31 =	sadd.s32 s21, s12;
	[sflag:s15] =	ssyncadd.s32 $0xFFFFFF80  }
0x54: {  	[tilespmem:s16], [sflag:$0x1] =	stream.linear.gather [hbm4b:s31+s3], $0x80, $0x38;
	[tilespmem:$0x1C100] =	vst v63  }
0x55: {  	_ =	swait.ge [sflag:s15], $0x80  }
0x56: {  	[sflag:s15] =	ssyncset.done $0x0  }
0x57: {  	[sflag:s15] =	ssyncadd.s32 $0xFFFFFF80  }
0x58: {  	[tilespmem:s17], [sflag:$0x1] =	stream.indirect.gather [hbm4b:s4+s16], $0x80, s3, s16, $0xb8;
	[tilespmem:$0x1C100] =	vst v63  }
0x59: {  	_ =	swait.ge [sflag:s15], $0x4000  }
0x5a: {  	[sflag:s15] =	ssyncset.done $0x0  }
0x5b: {  	[sflag:s15] =	ssyncadd.s32 $0xFFFFC000  }
0x5c: {  	[spmem:s2] =	stream.indirect.scatter.add.f32 [tilespmem:s17], [sflag:$0x1], $0x80, s16, s16, $0xb8;
	[tilespmem:$0x1C100] =	vst v63  }
0x5d: {  	_ =	swait.ge [sflag:s15], $0x4000  }
0x5e: {  	s20 =	sadd.s32 $0x1, s20;
	[sflag:s15] =	ssyncset.done $0x0  }
0x5f: {  	p0 =	sne.s32 s20, s11;
	[sflag:s15] =	ssyncadd.s32 $0xFFFFC000  }
.Ltmp2:
0x60: {  	[bflag:$0x0] =	sbarrier.arrive $0xFFFF;
	(pc) =	sbr.rel @p0 .LBB2_1-.Ltmp2, $4  }
0x61: {  	[hbm:s10], [sflag:s18] =	dma.local [spmem:s19], $0x2800  }
0x62: {  	_ =	swait.ge [sflag:s15], $0x2800  }
0x63: {  	[sflag:s15] =	ssyncset.done $0x0  }
0x64: {  	[sflag:s15] =	ssyncadd.s32 $0xFFFFD800  }
0x65: {  	_ =	sfence.sel $0x180000  }
0x66: {  	[bflag:$0x0] =	sbarrier.arrive $0xFFFF  }
0x67: {  	p0 =	sne.s32 s1, $0x0;
	_ =	strace $0x9000004A  }
0x68: {  	s0 =	sadd.s32 @!p0 $0x100000, s0;
	[bflag:$0x2] =	sbarrier.arrive $0xFFFF  }
0x69: {  	[sflag:s0] =	ssyncadd.tile.s32 @!p0 $0x1;
	_ =	shalt  }
.Lfunc_end2:
_tile_overlayer_lowered:
.L_overlay_start_2:
0x6a: {  	(tag) =	ssettag $0x2  }
0x6b: {  	s0 =	rddreg [dreg:$0x0];
	s2 =	stileid.u32  }
0x6c: {  	s1 =	rddreg [dreg:$0x1];
	p0 =	sne.s32 s2, $0x0  }
0x6d: {  	s3 =	rddreg [dreg:$0x2];
	[bflag:$0x3] =	sbarrier.arrive $0xFFFF;
	s2 =	simm.s32 @!p0 $0x1C01  }
0x6e: {  	[timem:s3], [sflag:s2] =	dma.local @!p0 [hbm:s0], s1  }
0x6f: {  	s0 =	simm.s32 @!p0 $0x1  }
0x70: {  	_ =	swait.ge @!p0 [sflag:s0], s1  }
0x71: {  	s1 =	ssub.s32 @!p0 $0x0, s1;
	[sflag:s0] =	ssyncset.done @!p0 $0x0  }
0x72: {  	[sflag:s0] =	ssyncadd.s32 @!p0 s1  }
0x73: {  	[bflag:$0x3] =	sbarrier.arrive $0xFFFF  }
0x74: {  	_ =	shalt  }

// kernel: kernel.16.cloned.1.call-start
scs
__scs_entry_jumppad:
0x0: {  	(pc) =	sbr.rel $0x88, $3  }
0x1: {  	(tag) =	ssettag $0x0;
	lr =	simm.s32 $0x1  }
0x2: {  	[smem:$0x3F99] =	sst lr;
	_ =	strace $0xD0000000  }
0x3: {  	_ = 	snop  }
0x4: {  	_ = 	snop  }
0x5: {  	_ = 	snop  }
0x6: {  	_ = 	snop  }
0x7: {  	_ = 	snop  }
__scs_overlays_trampoline_lowered:
0x8: {  	[smem:$0x3FA8] =	sst s0  }
0x9: {  	[smem:$0x3FA9] =	sst s1  }
0xa: {  	[smem:$0x3FAA] =	sst s2  }
0xb: {  	[smem:$0x3FAB] =	sst s3  }
0xc: {  	[smem:$0x3FAC] =	sst s4  }
0xd: {  	[smem:$0x3FAD] =	sst s5  }
0xe: {  	[smem:$0x3FAE] =	sst s6  }
0xf: {  	[smem:$0x3FAF] =	sst s7  }
0x10: {  	[smem:$0x3FB0] =	sst s8  }
0x11: {  	[smem:$0x3FB1] =	sst s9;
	s0 =	simm.s32 @!p0 $0x0  }
0x12: {  	s1 =	sld [smem:$0x3F97];
	s0 =	simm.s32 @p0 $0x1  }
0x13: {  	[smem:$0x3FB2] =	sst s0;
	s0 =	simm.s32 @!p1 $0x0  }
0x14: {  	s2 =	sld [smem:$0x3F96];
	s0 =	simm.s32 @p1 $0x1  }
0x15: {  	[smem:$0x3FB3] =	sst s0;
	s0 =	simm.s32 @!p2 $0x0  }
0x16: {  	s3 =	sld [smem:$0x3FDB];
	s0 =	simm.s32 @p2 $0x1  }
0x17: {  	s4 =	simm.s32 $0x1BF5;
	[smem:$0x3FB5] =	sst s0  }
0x18: {  	s0 =	sld [smem:$0x3F98];
	_ =	swait.ge [sflag:s4], $0x0  }
0x19: {  	s7 =	sld [smem:$0x3F99]  }
0x1a: {  	s8 =	sadd.s32 $0xFFFFE003, lr  }
0x1b: {  	s9 =	sadd.s32 $0xFFFFFEF7, lr;
	s5 =	simm.s32 $0xFFFFFFFF;
	p2 =	slt.u32 s8, $0xFFFFF086  }
0x1c: {  	p1 =	slt.u32 s9, $0xF7A;
	s5 =	simm.s32 @!p2 $0x0  }
0x1d: {  	s5 =	simm.s32 @p1 $0x1;
	p0 =	seq.s32 s7, s2  }
0x1e: {  	s7 =	smul.u32 @!p0 $0xF7A, s2;
	p2 =	seq.s32 @!p0 s5, $0x0  }
0x1f: {  	s9 =	smul.u32 $0xF7A, s1;
	s8 =	simm.s32 @!p0 $0x1BF5;
	p2 =	por !p2, p0  }
0x20: {  	[sflag:s8] =	ssyncset.s32 @!p0 $0xFFFFF086;
	s6 =	sadd.s32 @!p0 s3, s7;
	s7 =	simm.s32 @!p0 $0x108  }
0x21: {  	s3 =	sadd.s32 s3, s9;
	s6 =	sadd.s32 @!p0 $0x88, s6;
	s7 =	simm.s32 @p2 $0x1082  }
0x22: {  	[simem:s7], [sflag:s8] =	dma.local @!p0 [hbm:s6], $0xF7A  }
0x23: {  	s9 =	sor.u32 $0xD0000000, s2;
	s6 =	simm.s32 $0x108;
	_ =	swait.ge @!p0 [sflag:s8], $0x0  }
0x24: {  	s3 =	sadd.s32 $0x88, s3;
	s6 =	simm.s32 @!p1 $0x1082;
	[sflag:s4] =	ssyncset.s32 $0xFFFFF086  }
0x25: {  	[simem:s6], [sflag:s4] =	dma.local [hbm:s3], $0xF7A  }
0x26: {  	[smem:$0x3F99] =	sst s1;
	(tag) =	ssettag s2;
	_ =	strace s9  }
0x27: {  	s1 =	sld [smem:$0x3FA9]  }
0x28: {  	s2 =	sld [smem:$0x3FAA]  }
0x29: {  	s4 =	sld [smem:$0x3FAC]  }
0x2a: {  	p0 =	seq.s32 s5, $0x0;
	s5 =	sld [smem:$0x3FAD]  }
0x2b: {  	s6 =	sld [smem:$0x3FAE]  }
0x2c: {  	s7 =	sld [smem:$0x3FAF]  }
0x2d: {  	s3 =	simm.s32 $0x108;
	s8 =	sld [smem:$0x3FB0]  }
0x2e: {  	s3 =	simm.s32 @!p0 $0x1082;
	s9 =	sld [smem:$0x3FB1]  }
0x2f: {  	lr =	sadd.s32 s0, s3;
	s0 =	sld [smem:$0x3FA8]  }
0x30: {  	s3 =	sld [smem:$0x3FAB]  }
0x31: {  	[smem:$0x3FB4] =	sst s10  }
0x32: {  	s10 =	sld [smem:$0x3FB2];
	_ =	sdelay $0x3  }
0x33: {  	p0 =	seq.s32 s10, $0x1;
	s10 =	sld [smem:$0x3FB4];
	_ =	sdelay $0x3  }
0x34: {  	[smem:$0x3FB4] =	sst s10  }
0x35: {  	s10 =	sld [smem:$0x3FB3];
	_ =	sdelay $0x3  }
0x36: {  	p1 =	seq.s32 s10, $0x1;
	s10 =	sld [smem:$0x3FB4];
	_ =	sdelay $0x3  }
0x37: {  	[smem:$0x3FB4] =	sst s10  }
0x38: {  	s10 =	sld [smem:$0x3FB5]  }
0x39: {  	_ = 	snop;
	(pc) =	sbr.ind lr, $3  }
0x3a: {  	_ = 	snop  }
0x3b: {  	_ = 	snop  }
0x3c: {  	p2 =	seq.s32 s10, $0x1;
	s10 =	sld [smem:$0x3FB4]  }
0x3d: {  	_ =	shalt  }
0x3e: {  	_ =	shalt  }
0x3f: {  	_ =	shalt  }
0x40: {  	_ =	shalt  }
0x41: {  	_ =	shalt  }
0x42: {  	_ =	shalt  }
0x43: {  	_ =	shalt  }
0x44: {  	_ =	shalt  }
0x45: {  	_ =	shalt  }
0x46: {  	_ =	shalt  }
0x47: {  	_ =	shalt  }
0x48: {  	_ =	shalt  }
0x49: {  	_ =	shalt  }
0x4a: {  	_ =	shalt  }
0x4b: {  	_ =	shalt  }
0x4c: {  	_ =	shalt  }
0x4d: {  	_ =	shalt  }
0x4e: {  	_ =	shalt  }
0x4f: {  	_ =	shalt  }
0x50: {  	_ =	shalt  }
0x51: {  	_ =	shalt  }
0x52: {  	_ =	shalt  }
0x53: {  	_ =	shalt  }
0x54: {  	_ =	shalt  }
0x55: {  	_ =	shalt  }
0x56: {  	_ =	shalt  }
0x57: {  	_ =	shalt  }
0x58: {  	_ =	shalt  }
0x59: {  	_ =	shalt  }
0x5a: {  	_ =	shalt  }
0x5b: {  	_ =	shalt  }
0x5c: {  	_ =	shalt  }
0x5d: {  	_ =	shalt  }
0x5e: {  	_ =	shalt  }
0x5f: {  	_ =	shalt  }
0x60: {  	_ =	shalt  }
0x61: {  	_ =	shalt  }
0x62: {  	_ =	shalt  }
0x63: {  	_ =	shalt  }
0x64: {  	_ =	shalt  }
0x65: {  	_ =	shalt  }
0x66: {  	_ =	shalt  }
0x67: {  	_ =	shalt  }
0x68: {  	_ =	shalt  }
0x69: {  	_ =	shalt  }
0x6a: {  	_ =	shalt  }
0x6b: {  	_ =	shalt  }
0x6c: {  	_ =	shalt  }
0x6d: {  	_ =	shalt  }
0x6e: {  	_ =	shalt  }
0x6f: {  	_ =	shalt  }
0x70: {  	_ =	shalt  }
0x71: {  	_ =	shalt  }
0x72: {  	_ =	shalt  }
0x73: {  	_ =	shalt  }
0x74: {  	_ =	shalt  }
0x75: {  	_ =	shalt  }
0x76: {  	_ =	shalt  }
0x77: {  	_ =	shalt  }
0x78: {  	_ =	shalt  }
0x79: {  	_ =	shalt  }
0x7a: {  	_ =	shalt  }
0x7b: {  	_ =	shalt  }
0x7c: {  	_ =	shalt  }
0x7d: {  	_ =	shalt  }
0x7e: {  	_ =	shalt  }
0x7f: {  	_ =	shalt  }
0x80: {  	_ =	shalt  }
0x81: {  	_ =	shalt  }
0x82: {  	_ =	shalt  }
0x83: {  	_ =	shalt  }
0x84: {  	_ =	shalt  }
0x85: {  	_ =	shalt  }
0x86: {  	_ =	shalt  }
0x87: {  	_ =	shalt  }
.Lfunc_end0:
.L_simem_size_0:
called_computation.2_lowered:
.L_overlay_start_0:
0x88: {  	s2 =	sld [smem:$0x3FD9]  }
0x89: {  	s3 =	sld [smem:$0x3FFE];
	_ =	sdelay $0x1  }
0x8a: {  	s1 =	srdreg.scid  }
0x8b: {  	s0 =	sand.u32 $0x1, s1  }
0x8c: {  	s16 =	sshll.u32 s0, $0xA;
	s2 =	sadd.s32 s3, s2  }
0x8d: {  	s2 =	sadd.s32 s2, s16  }
0x8e: {  	[smem:$0x3FC0] =	sst s2  }
0x8f: {  	_ = 	snop  }
0x90: {  	(tm) =	ssettm $0x1  }
0x91: {  	s17 =	sld [smem:$0x3FFB];
	_ =	sdelay $0x3  }
0x92: {  	_ =	strace s17  }
0x93: {  	s2 =	sld [smem:$0x3FFC];
	_ =	sdelay $0x3  }
0x94: {  	_ =	strace s2  }
0x95: {  	s2 =	sld [smem:$0x3FFD];
	_ =	sdelay $0x3  }
0x96: {  	_ =	strace s2  }
0x97: {  	_ =	strace $0x8FFFFFFF  }
0x98: {  	s18 =	sld [smem:$0x3FDB];
	_ =	sdelay $0x1  }
0x99: {  	s19 =	simm.s32 $_scs_section_size  }
0x9a: {  	s4 =	simm.s32 $_size__tile_overlayer_lowered;
	s5 =	simm.s32 $_tile_overlayer_lowered  }
0x9b: {  	s22 =	simm.s32 $0x1BFF;
	s21 =	sshll.u32 s5, $0x1;
	s2 =	sadd.s32 s19, s18  }
0x9c: {  	s6 =	simm.s32 $0x0;
	s20 =	sshll.u32 s4, $0x1;
	s4 =	sadd.s32 s21, s2  }
0x9d: {  	[timem:s6], [sflag:s22] =	dma.local [hbm:s4], s20  }
0x9e: {  	_ =	swait.ge [sflag:s22], s20  }
0x9f: {  	s3 =	ssub.s32 $0x0, s20;
	[sflag:s22] =	ssyncset.done $0x0  }
0xa0: {  	[sflag:s22] =	ssyncadd.s32 s3;
	_ =	sdelay $0x1  }
0xa1: {  	s23 =	simm.s32 $0x1B8B  }
0xa2: {  	_ =	swait.ge [sflag:s23], $0x1  }
0xa3: {  	[sflag:s23] =	ssyncset.done $0x0  }
0xa4: {  	s25 =	simm.s32 $0x1B8E;
	s24 =	sld [smem:$0x3FFE];
	[sflag:s23] =	ssyncadd.s32 $0xFFFFFFFF  }
0xa5: {  	s26 =	simm.s32 $execute0_lowered;
	[smem:$0x3FD2] =	sst s25  }
0xa6: {  	s4 =	sshll.u32 s26, $0x1;
	_ =	strace $0x8000004C;
	[dreg:$0x1] =	wrdreg $0xFFFFFFFF  }
0xa7: {  	s28 =	simm.s32 $_size_execute0_lowered;
	s2 =	sadd.s32 s2, s4;
	[dreg:$0x0] =	wrdreg $0x0  }
0xa8: {  	s4 =	sshll.u32 s28, $0x1;
	[dreg:$0x2] =	wrdreg s2  }
0xa9: {  	[dreg:$0x3] =	wrdreg s4  }
0xaa: {  	[dreg:$0x4] =	wrdreg $0xC0  }
0xab: {  	_ =	task [dreg:s6], $0x5FFFF  }
0xac: {  	[dreg:$0x1] =	wrdreg $0xFFFFFFFF  }
0xad: {  	[dreg:$0x0] =	wrdreg $0x60  }
0xae: {  	[dreg:$0x2] =	wrdreg s24  }
0xaf: {  	[dreg:$0x3] =	wrdreg $0x81000  }
0xb0: {  	[dreg:$0x4] =	wrdreg $0x9  }
0xb1: {  	_ =	task.clear_ibuf [dreg:s6], $0x5FFFF;
	_ =	strace $0x9000004C  }
0xb2: {  	s29 =	simm.s32 $0x9;
	_ =	strace $0x8000004E  }
0xb3: {  	_ =	swait.ge [sflag:s29], $0x1  }
0xb4: {  	[sflag:s29] =	ssyncadd.s32 $0xFFFFFFFF  }
0xb5: {  	_ =	strace $0x9000004E  }
0xb6: {  	_ =	sfence  }
0xb7: {  	s30 =	sld [smem:$0x0];
	_ =	sdelay $0x2  }
0xb8: {  	s31 =	sshll.u32 s1, $0xD;
	s1 =	sshrl.u32 s1, $0x2  }
0xb9: {  	s3 =	sand.u32 $0x4000, s31;
	s1 =	sadd.s32 s1, s30  }
0xba: {  	s0 =	sor.u32 s3, s0;
	s1 =	sshll.u32 s1, $0x11  }
0xbb: {  	s0 =	sor.u32 s1, s0  }
0xbc: {  	s0 =	sadd.s32 $0x8F2B, s0  }
0xbd: {  	[sflag:s0] =	ssyncadd.remote.s32 $0x1  }
0xbe: {  	_ =	sfence.sel $0xFFFF  }
0xbf: {  	[dreg:$0x0] =	wrdreg $0xFFFFFFFF;
	(pc) =	sbr.abs _section_cstart, $3  }
0xc0: {  	[dreg:$0x1] =	wrdreg $0xFFFFFFFF  }
0xc1: {  	_ =	task.clear_ibuf [dreg:s6], $0x2FFFF;
	_ =	strace $0x9FFFFFFF  }
0xc2: {  	(tm) =	ssettm $0x7FFFFFFF  }
0xc3: {  	_ =	shalt  }
tec
execute0_lowered:
.L_overlay_start_1:
0x0: {  	(tag) =	ssettag $0x1  }
0x1: {  	s5 =	rddreg [dreg:$0x0];
	s0 =	srdreg.scid  }
0x2: {  	s2 =	rddreg [dreg:$0x1];
	s1 =	stileid.u32;
	s3 =	simm.s32 $0x0  }
0x3: {  	s15 =	simm.s32 $0x1;
	s16 =	simm.s32 $0x80;
	s7 =	smul.u32 $0x14000, s1  }
0x4: {  	s17 =	simm.s32 $0x100;
	s20 =	simm.s32 $0x0;
	s9 =	smul.u32 $0x50000, s1  }
0x5: {  	s6 =	sand.u32 $0x1, s0;
	s0 =	rddreg [dreg:$0x2];
	s12 =	smul.u32 $0x4F0, s1  }
0x6: {  	[smem:$0x7FF] =	sst s3;
	s18 =	sshll.u32 s1, $0x6;
	s4 =	smul.u32 $0x140000, s6  }
0x7: {  	s8 =	smul.u32 $0x4F00, s6;
	_ =	strace $0x8000004D;
	s6 =	ssub.s32 $0x2, s6  }
0x8: {  	s18 =	sor.u32 $0x1C01, s18;
	s30 =	sshrl.u32 s9, $0x2;
	s31 =	sshrl.u32 s6, $0x1  }
0x9: {  	s7 =	sadd.s32 s7, s4;
	s4 =	sadd.s32 $0x17000, s5;
	s10 =	sadd.s32 s8, s5  }
0xa: {  	s13 =	ssub.s32 s6, s31;
	s7 =	sshrl.u32 s7, $0x3;
	s14 =	sadd.s32 s12, s10  }
0xb: {  	s11 =	sadd.s32 s7, s5;
	s5 =	sadd.s32 s30, s2;
	s12 =	sadd.s32 $0x3400, s14  }
0xc: {  	s6 =	sadd.s32 $0x4000, s5;
	s7 =	sadd.s32 $0x8000, s5;
	s8 =	sadd.s32 $0xC000, s5  }
0xd: {  	s9 =	sadd.s32 $0x10000, s5;
	s10 =	sadd.s32 $0x67000, s11;
	s11 =	smax.u32 s13, $0x1  }
0xe: {  	v0 =	vimm.f32 $0.0e+00;
	s13 =	sadd.s32 $0xD200, s14;
	s14 =	simm.s32 $0x4100;
	s19 =	sshrl.u32 s5, $0x3  }
.LBB2_1:
0xf: {  	s21 =	sand.u32 $0xFE00, s3  }
0x10: {  	s22 =	sand.u32 $0x70, s3;
	s23 =	sshrl.u32 s21, $0x2  }
0x11: {  	s21 =	simm.s32 $0x40;
	s23 =	sor.u32 s22, s23;
	s22 =	simm.s32 $0x0  }
.LBB2_2:
0x12: {  	p0 =	sne.s32 s21, $0xFFC0  }
0x13: {  	[tilespmem:s23+$0x4100] =	vst v0;
	s22 =	sadd.s32 $0x10, s22;
	s23 =	smov.u32 s21;
	s21 =	sadd.s32 $0x40, s21  }
.Ltmp0:
0x14: {  	(pc) =	sbr.rel @p0 .LBB2_2-.Ltmp0, $4  }
0x15: {  	_ = 	snop  }
0x16: {  	s23 =	sand.u32 $0xFE00, s23  }
0x17: {  	s24 =	sand.u32 $0x70, s22;
	s23 =	sshrl.u32 s23, $0x2  }
0x18: {  	s23 =	sor.u32 s24, s23  }
0x19: {  	[tilespmem:s23+$0x4100] =	vst v0  }
0x1a: {  	[spmem:s5] =	stream.linear.scatter [tilespmem:s14], [sflag:$0x1], $0x4000, $0x38;
	[tilespmem:$0x1C100] =	vst v63  }
0x1b: {  	_ =	swait.ge [sflag:s15], $0x4000  }
0x1c: {  	[sflag:s15] =	ssyncset.done $0x0  }
0x1d: {  	[sflag:s15] =	ssyncadd.s32 $0xFFFFC000  }
0x1e: {  	[spmem:s6] =	stream.linear.scatter [tilespmem:s14], [sflag:$0x1], $0x4000, $0x38;
	[tilespmem:$0x1C100] =	vst v63  }
0x1f: {  	_ =	swait.ge [sflag:s15], $0x4000  }
0x20: {  	[sflag:s15] =	ssyncset.done $0x0  }
0x21: {  	[sflag:s15] =	ssyncadd.s32 $0xFFFFC000  }
0x22: {  	[spmem:s7] =	stream.linear.scatter [tilespmem:s14], [sflag:$0x1], $0x4000, $0x38;
	[tilespmem:$0x1C100] =	vst v63  }
0x23: {  	_ =	swait.ge [sflag:s15], $0x4000  }
0x24: {  	[sflag:s15] =	ssyncset.done $0x0  }
0x25: {  	[sflag:s15] =	ssyncadd.s32 $0xFFFFC000  }
0x26: {  	[spmem:s8] =	stream.linear.scatter [tilespmem:s14], [sflag:$0x1], $0x4000, $0x38;
	[tilespmem:$0x1C100] =	vst v63  }
0x27: {  	_ =	swait.ge [sflag:s15], $0x4000  }
0x28: {  	[sflag:s15] =	ssyncset.done $0x0  }
0x29: {  	[sflag:s15] =	ssyncadd.s32 $0xFFFFC000  }
0x2a: {  	[spmem:s9] =	stream.linear.scatter [tilespmem:s14], [sflag:$0x1], $0x4000, $0x38;
	[tilespmem:$0x1C100] =	vst v63  }
0x2b: {  	_ =	swait.ge [sflag:s15], $0x4000  }
0x2c: {  	[sflag:s15] =	ssyncset.done $0x0  }
0x2d: {  	[sflag:s15] =	ssyncadd.s32 $0xFFFFC000  }
0x2e: {  	s21 =	sadd.s32 $0x0, s13;
	[bflag:$0x0] =	sbarrier.arrive $0xFFFF  }
0x2f: {  	[tilespmem:s3], [sflag:$0x1] =	stream.linear.gather [hbm4b:s21+s3], $0x80, $0x38;
	[tilespmem:$0x1C100] =	vst v63  }
0x30: {  	_ =	swait.ge [sflag:s15], $0x80  }
0x31: {  	[sflag:s15] =	ssyncset.done $0x0  }
0x32: {  	s31 =	sadd.s32 $0x0, s12;
	[sflag:s15] =	ssyncadd.s32 $0xFFFFFF80  }
0x33: {  	[tilespmem:s16], [sflag:$0x1] =	stream.linear.gather [hbm4b:s31+s3], $0x80, $0x38;
	[tilespmem:$0x1C100] =	vst v63  }
0x34: {  	_ =	swait.ge [sflag:s15], $0x80  }
0x35: {  	[sflag:s15] =	ssyncset.done $0x0  }
0x36: {  	[sflag:s15] =	ssyncadd.s32 $0xFFFFFF80  }
0x37: {  	[tilespmem:s17], [sflag:$0x1] =	stream.indirect.gather [hbm4b:s4+s16], $0x80, s3, s16, $0xb8;
	[tilespmem:$0x1C100] =	vst v63  }
0x38: {  	_ =	swait.ge [sflag:s15], $0x4000  }
0x39: {  	[sflag:s15] =	ssyncset.done $0x0  }
0x3a: {  	[sflag:s15] =	ssyncadd.s32 $0xFFFFC000  }
0x3b: {  	[spmem:s2] =	stream.indirect.scatter.add.f32 [tilespmem:s17], [sflag:$0x1], $0x80, s16, s16, $0xb8;
	[tilespmem:$0x1C100] =	vst v63  }
0x3c: {  	_ =	swait.ge [sflag:s15], $0x4000  }
0x3d: {  	s22 =	simm.s32 $0x20;
	s21 =	simm.s32 $0x10;
	[sflag:s15] =	ssyncset.done $0x0  }
.LBB2_4:
0x3e: {  	s23 =	sadd.s32 s21, s13  }
0x3f: {  	[sflag:s15] =	ssyncadd.s32 $0xFFFFC000;
	s24 =	smov.u32 s22;
	s25 =	sadd.s32 $0x10, s22  }
0x40: {  	[tilespmem:s3], [sflag:$0x1] =	stream.linear.gather [hbm4b:s23+s3], $0x80, $0x38;
	[tilespmem:$0x1C100] =	vst v63  }
0x41: {  	p0 =	sne.s32 s22, $0x4E0;
	_ =	swait.ge [sflag:s15], $0x80  }
0x42: {  	[sflag:s15] =	ssyncset.done $0x0  }
0x43: {  	s22 =	sadd.s32 s21, s12;
	s21 =	smov.u32 s24;
	[sflag:s15] =	ssyncadd.s32 $0xFFFFFF80  }
0x44: {  	[tilespmem:s16], [sflag:$0x1] =	stream.linear.gather [hbm4b:s22+s3], $0x80, $0x38;
	[tilespmem:$0x1C100] =	vst v63  }
0x45: {  	_ =	swait.ge [sflag:s15], $0x80  }
0x46: {  	[sflag:s15] =	ssyncset.done $0x0  }
0x47: {  	[sflag:s15] =	ssyncadd.s32 $0xFFFFFF80  }
0x48: {  	[tilespmem:s17], [sflag:$0x1] =	stream.indirect.gather [hbm4b:s4+s16], $0x80, s3, s16, $0xb8;
	[tilespmem:$0x1C100] =	vst v63  }
0x49: {  	_ =	swait.ge [sflag:s15], $0x4000  }
.Ltmp1:
0x4a: {  	[sflag:s15] =	ssyncset.done $0x0;
	(pc) =	sbr.rel @p0 .LBB2_4-.Ltmp1, $4  }
0x4b: {  	[sflag:s15] =	ssyncadd.s32 $0xFFFFC000  }
0x4c: {  	[spmem:s2] =	stream.indirect.scatter.add.f32 [tilespmem:s17], [sflag:$0x1], $0x80, s16, s16, $0xb8;
	[tilespmem:$0x1C100] =	vst v63  }
0x4d: {  	_ =	swait.ge [sflag:s15], $0x4000  }
0x4e: {  	s22 =	smov.u32 s25;
	[sflag:s15] =	ssyncset.done $0x0  }
0x4f: {  	s22 =	sadd.s32 s21, s13;
	[sflag:s15] =	ssyncadd.s32 $0xFFFFC000  }
0x50: {  	[tilespmem:s3], [sflag:$0x1] =	stream.linear.gather [hbm4b:s22+s3], $0x80, $0x38;
	[tilespmem:$0x1C100] =	vst v63  }
0x51: {  	_ =	swait.ge [sflag:s15], $0x80  }
0x52: {  	[sflag:s15] =	ssyncset.done $0x0  }
0x53: {  	s31 =	sadd.s32 s21, s12;
	[sflag:s15] =	ssyncadd.s32 $0xFFFFFF80  }
0x54: {  	[tilespmem:s16], [sflag:$0x1] =	stream.linear.gather [hbm4b:s31+s3], $0x80, $0x38;
	[tilespmem:$0x1C100] =	vst v63  }
0x55: {  	_ =	swait.ge [sflag:s15], $0x80  }
0x56: {  	[sflag:s15] =	ssyncset.done $0x0  }
0x57: {  	[sflag:s15] =	ssyncadd.s32 $0xFFFFFF80  }
0x58: {  	[tilespmem:s17], [sflag:$0x1] =	stream.indirect.gather [hbm4b:s4+s16], $0x80, s3, s16, $0xb8;
	[tilespmem:$0x1C100] =	vst v63  }
0x59: {  	_ =	swait.ge [sflag:s15], $0x4000  }
0x5a: {  	[sflag:s15] =	ssyncset.done $0x0  }
0x5b: {  	[sflag:s15] =	ssyncadd.s32 $0xFFFFC000  }
0x5c: {  	[spmem:s2] =	stream.indirect.scatter.add.f32 [tilespmem:s17], [sflag:$0x1], $0x80, s16, s16, $0xb8;
	[tilespmem:$0x1C100] =	vst v63  }
0x5d: {  	_ =	swait.ge [sflag:s15], $0x4000  }
0x5e: {  	s20 =	sadd.s32 $0x1, s20;
	[sflag:s15] =	ssyncset.done $0x0  }
0x5f: {  	p0 =	sne.s32 s20, s11;
	[sflag:s15] =	ssyncadd.s32 $0xFFFFC000  }
.Ltmp2:
0x60: {  	[bflag:$0x0] =	sbarrier.arrive $0xFFFF;
	(pc) =	sbr.rel @p0 .LBB2_1-.Ltmp2, $4  }
0x61: {  	[hbm:s10], [sflag:s18] =	dma.local [spmem:s19], $0x2800  }
0x62: {  	_ =	swait.ge [sflag:s15], $0x2800  }
0x63: {  	[sflag:s15] =	ssyncset.done $0x0  }
0x64: {  	[sflag:s15] =	ssyncadd.s32 $0xFFFFD800  }
0x65: {  	_ =	sfence.sel $0x180000  }
0x66: {  	[bflag:$0x0] =	sbarrier.arrive $0xFFFF  }
0x67: {  	p0 =	sne.s32 s1, $0x0;
	_ =	strace $0x9000004D  }
0x68: {  	s0 =	sadd.s32 @!p0 $0x100000, s0;
	[bflag:$0x2] =	sbarrier.arrive $0xFFFF  }
0x69: {  	[sflag:s0] =	ssyncadd.tile.s32 @!p0 $0x1;
	_ =	shalt  }
.Lfunc_end2:
_tile_overlayer_lowered:
.L_overlay_start_2:
0x6a: {  	(tag) =	ssettag $0x2  }
0x6b: {  	s0 =	rddreg [dreg:$0x0];
	s2 =	stileid.u32  }
0x6c: {  	s1 =	rddreg [dreg:$0x1];
	p0 =	sne.s32 s2, $0x0  }
0x6d: {  	s3 =	rddreg [dreg:$0x2];
	[bflag:$0x3] =	sbarrier.arrive $0xFFFF;
	s2 =	simm.s32 @!p0 $0x1C01  }
0x6e: {  	[timem:s3], [sflag:s2] =	dma.local @!p0 [hbm:s0], s1  }
0x6f: {  	s0 =	simm.s32 @!p0 $0x1  }
0x70: {  	_ =	swait.ge @!p0 [sflag:s0], s1  }
0x71: {  	s1 =	ssub.s32 @!p0 $0x0, s1;
	[sflag:s0] =	ssyncset.done @!p0 $0x0  }
0x72: {  	[sflag:s0] =	ssyncadd.s32 @!p0 s1  }
0x73: {  	[bflag:$0x3] =	sbarrier.arrive $0xFFFF  }
0x74: {  	_ =	shalt  }

// kernel: kernel.19.cloned.1.call-start
scs
__scs_entry_jumppad:
0x0: {  	(pc) =	sbr.rel $0x88, $3  }
0x1: {  	(tag) =	ssettag $0x0;
	lr =	simm.s32 $0x1  }
0x2: {  	[smem:$0x3F99] =	sst lr;
	_ =	strace $0xD0000000  }
0x3: {  	_ = 	snop  }
0x4: {  	_ = 	snop  }
0x5: {  	_ = 	snop  }
0x6: {  	_ = 	snop  }
0x7: {  	_ = 	snop  }
__scs_overlays_trampoline_lowered:
0x8: {  	[smem:$0x3FA8] =	sst s0  }
0x9: {  	[smem:$0x3FA9] =	sst s1  }
0xa: {  	[smem:$0x3FAA] =	sst s2  }
0xb: {  	[smem:$0x3FAB] =	sst s3  }
0xc: {  	[smem:$0x3FAC] =	sst s4  }
0xd: {  	[smem:$0x3FAD] =	sst s5  }
0xe: {  	[smem:$0x3FAE] =	sst s6  }
0xf: {  	[smem:$0x3FAF] =	sst s7  }
0x10: {  	[smem:$0x3FB0] =	sst s8  }
0x11: {  	[smem:$0x3FB1] =	sst s9;
	s0 =	simm.s32 @!p0 $0x0  }
0x12: {  	s1 =	sld [smem:$0x3F97];
	s0 =	simm.s32 @p0 $0x1  }
0x13: {  	[smem:$0x3FB2] =	sst s0;
	s0 =	simm.s32 @!p1 $0x0  }
0x14: {  	s2 =	sld [smem:$0x3F96];
	s0 =	simm.s32 @p1 $0x1  }
0x15: {  	[smem:$0x3FB3] =	sst s0;
	s0 =	simm.s32 @!p2 $0x0  }
0x16: {  	s3 =	sld [smem:$0x3FDB];
	s0 =	simm.s32 @p2 $0x1  }
0x17: {  	s4 =	simm.s32 $0x1BF5;
	[smem:$0x3FB5] =	sst s0  }
0x18: {  	s0 =	sld [smem:$0x3F98];
	_ =	swait.ge [sflag:s4], $0x0  }
0x19: {  	s7 =	sld [smem:$0x3F99]  }
0x1a: {  	s8 =	sadd.s32 $0xFFFFE003, lr  }
0x1b: {  	s9 =	sadd.s32 $0xFFFFFEF7, lr;
	s5 =	simm.s32 $0xFFFFFFFF;
	p2 =	slt.u32 s8, $0xFFFFF086  }
0x1c: {  	p1 =	slt.u32 s9, $0xF7A;
	s5 =	simm.s32 @!p2 $0x0  }
0x1d: {  	s5 =	simm.s32 @p1 $0x1;
	p0 =	seq.s32 s7, s2  }
0x1e: {  	s7 =	smul.u32 @!p0 $0xF7A, s2;
	p2 =	seq.s32 @!p0 s5, $0x0  }
0x1f: {  	s9 =	smul.u32 $0xF7A, s1;
	s8 =	simm.s32 @!p0 $0x1BF5;
	p2 =	por !p2, p0  }
0x20: {  	[sflag:s8] =	ssyncset.s32 @!p0 $0xFFFFF086;
	s6 =	sadd.s32 @!p0 s3, s7;
	s7 =	simm.s32 @!p0 $0x108  }
0x21: {  	s3 =	sadd.s32 s3, s9;
	s6 =	sadd.s32 @!p0 $0x88, s6;
	s7 =	simm.s32 @p2 $0x1082  }
0x22: {  	[simem:s7], [sflag:s8] =	dma.local @!p0 [hbm:s6], $0xF7A  }
0x23: {  	s9 =	sor.u32 $0xD0000000, s2;
	s6 =	simm.s32 $0x108;
	_ =	swait.ge @!p0 [sflag:s8], $0x0  }
0x24: {  	s3 =	sadd.s32 $0x88, s3;
	s6 =	simm.s32 @!p1 $0x1082;
	[sflag:s4] =	ssyncset.s32 $0xFFFFF086  }
0x25: {  	[simem:s6], [sflag:s4] =	dma.local [hbm:s3], $0xF7A  }
0x26: {  	[smem:$0x3F99] =	sst s1;
	(tag) =	ssettag s2;
	_ =	strace s9  }
0x27: {  	s1 =	sld [smem:$0x3FA9]  }
0x28: {  	s2 =	sld [smem:$0x3FAA]  }
0x29: {  	s4 =	sld [smem:$0x3FAC]  }
0x2a: {  	p0 =	seq.s32 s5, $0x0;
	s5 =	sld [smem:$0x3FAD]  }
0x2b: {  	s6 =	sld [smem:$0x3FAE]  }
0x2c: {  	s7 =	sld [smem:$0x3FAF]  }
0x2d: {  	s3 =	simm.s32 $0x108;
	s8 =	sld [smem:$0x3FB0]  }
0x2e: {  	s3 =	simm.s32 @!p0 $0x1082;
	s9 =	sld [smem:$0x3FB1]  }
0x2f: {  	lr =	sadd.s32 s0, s3;
	s0 =	sld [smem:$0x3FA8]  }
0x30: {  	s3 =	sld [smem:$0x3FAB]  }
0x31: {  	[smem:$0x3FB4] =	sst s10  }
0x32: {  	s10 =	sld [smem:$0x3FB2];
	_ =	sdelay $0x3  }
0x33: {  	p0 =	seq.s32 s10, $0x1;
	s10 =	sld [smem:$0x3FB4];
	_ =	sdelay $0x3  }
0x34: {  	[smem:$0x3FB4] =	sst s10  }
0x35: {  	s10 =	sld [smem:$0x3FB3];
	_ =	sdelay $0x3  }
0x36: {  	p1 =	seq.s32 s10, $0x1;
	s10 =	sld [smem:$0x3FB4];
	_ =	sdelay $0x3  }
0x37: {  	[smem:$0x3FB4] =	sst s10  }
0x38: {  	s10 =	sld [smem:$0x3FB5]  }
0x39: {  	_ = 	snop;
	(pc) =	sbr.ind lr, $3  }
0x3a: {  	_ = 	snop  }
0x3b: {  	_ = 	snop  }
0x3c: {  	p2 =	seq.s32 s10, $0x1;
	s10 =	sld [smem:$0x3FB4]  }
0x3d: {  	_ =	shalt  }
0x3e: {  	_ =	shalt  }
0x3f: {  	_ =	shalt  }
0x40: {  	_ =	shalt  }
0x41: {  	_ =	shalt  }
0x42: {  	_ =	shalt  }
0x43: {  	_ =	shalt  }
0x44: {  	_ =	shalt  }
0x45: {  	_ =	shalt  }
0x46: {  	_ =	shalt  }
0x47: {  	_ =	shalt  }
0x48: {  	_ =	shalt  }
0x49: {  	_ =	shalt  }
0x4a: {  	_ =	shalt  }
0x4b: {  	_ =	shalt  }
0x4c: {  	_ =	shalt  }
0x4d: {  	_ =	shalt  }
0x4e: {  	_ =	shalt  }
0x4f: {  	_ =	shalt  }
0x50: {  	_ =	shalt  }
0x51: {  	_ =	shalt  }
0x52: {  	_ =	shalt  }
0x53: {  	_ =	shalt  }
0x54: {  	_ =	shalt  }
0x55: {  	_ =	shalt  }
0x56: {  	_ =	shalt  }
0x57: {  	_ =	shalt  }
0x58: {  	_ =	shalt  }
0x59: {  	_ =	shalt  }
0x5a: {  	_ =	shalt  }
0x5b: {  	_ =	shalt  }
0x5c: {  	_ =	shalt  }
0x5d: {  	_ =	shalt  }
0x5e: {  	_ =	shalt  }
0x5f: {  	_ =	shalt  }
0x60: {  	_ =	shalt  }
0x61: {  	_ =	shalt  }
0x62: {  	_ =	shalt  }
0x63: {  	_ =	shalt  }
0x64: {  	_ =	shalt  }
0x65: {  	_ =	shalt  }
0x66: {  	_ =	shalt  }
0x67: {  	_ =	shalt  }
0x68: {  	_ =	shalt  }
0x69: {  	_ =	shalt  }
0x6a: {  	_ =	shalt  }
0x6b: {  	_ =	shalt  }
0x6c: {  	_ =	shalt  }
0x6d: {  	_ =	shalt  }
0x6e: {  	_ =	shalt  }
0x6f: {  	_ =	shalt  }
0x70: {  	_ =	shalt  }
0x71: {  	_ =	shalt  }
0x72: {  	_ =	shalt  }
0x73: {  	_ =	shalt  }
0x74: {  	_ =	shalt  }
0x75: {  	_ =	shalt  }
0x76: {  	_ =	shalt  }
0x77: {  	_ =	shalt  }
0x78: {  	_ =	shalt  }
0x79: {  	_ =	shalt  }
0x7a: {  	_ =	shalt  }
0x7b: {  	_ =	shalt  }
0x7c: {  	_ =	shalt  }
0x7d: {  	_ =	shalt  }
0x7e: {  	_ =	shalt  }
0x7f: {  	_ =	shalt  }
0x80: {  	_ =	shalt  }
0x81: {  	_ =	shalt  }
0x82: {  	_ =	shalt  }
0x83: {  	_ =	shalt  }
0x84: {  	_ =	shalt  }
0x85: {  	_ =	shalt  }
0x86: {  	_ =	shalt  }
0x87: {  	_ =	shalt  }
.Lfunc_end0:
.L_simem_size_0:
called_computation.3_lowered:
.L_overlay_start_0:
0x88: {  	s2 =	sld [smem:$0x3FD9]  }
0x89: {  	s3 =	sld [smem:$0x3FFE];
	_ =	sdelay $0x1  }
0x8a: {  	s1 =	srdreg.scid  }
0x8b: {  	s0 =	sand.u32 $0x1, s1  }
0x8c: {  	s16 =	sshll.u32 s0, $0xA;
	s2 =	sadd.s32 s3, s2  }
0x8d: {  	s2 =	sadd.s32 s2, s16  }
0x8e: {  	[smem:$0x3FC0] =	sst s2  }
0x8f: {  	_ = 	snop  }
0x90: {  	(tm) =	ssettm $0x1  }
0x91: {  	s17 =	sld [smem:$0x3FFB];
	_ =	sdelay $0x3  }
0x92: {  	_ =	strace s17  }
0x93: {  	s2 =	sld [smem:$0x3FFC];
	_ =	sdelay $0x3  }
0x94: {  	_ =	strace s2  }
0x95: {  	s2 =	sld [smem:$0x3FFD];
	_ =	sdelay $0x3  }
0x96: {  	_ =	strace s2  }
0x97: {  	_ =	strace $0x8FFFFFFF  }
0x98: {  	s18 =	sld [smem:$0x3FDB];
	_ =	sdelay $0x1  }
0x99: {  	s19 =	simm.s32 $_scs_section_size  }
0x9a: {  	s4 =	simm.s32 $_size__tile_overlayer_lowered;
	s5 =	simm.s32 $_tile_overlayer_lowered  }
0x9b: {  	s22 =	simm.s32 $0x1BFF;
	s21 =	sshll.u32 s5, $0x1;
	s2 =	sadd.s32 s19, s18  }
0x9c: {  	s6 =	simm.s32 $0x0;
	s20 =	sshll.u32 s4, $0x1;
	s4 =	sadd.s32 s21, s2  }
0x9d: {  	[timem:s6], [sflag:s22] =	dma.local [hbm:s4], s20  }
0x9e: {  	_ =	swait.ge [sflag:s22], s20  }
0x9f: {  	s3 =	ssub.s32 $0x0, s20;
	[sflag:s22] =	ssyncset.done $0x0  }
0xa0: {  	[sflag:s22] =	ssyncadd.s32 s3;
	_ =	sdelay $0x1  }
0xa1: {  	s23 =	simm.s32 $0x1B8B  }
0xa2: {  	_ =	swait.ge [sflag:s23], $0x1  }
0xa3: {  	[sflag:s23] =	ssyncset.done $0x0  }
0xa4: {  	s25 =	simm.s32 $0x1B8E;
	s24 =	sld [smem:$0x3FFE];
	[sflag:s23] =	ssyncadd.s32 $0xFFFFFFFF  }
0xa5: {  	s26 =	simm.s32 $execute0_lowered;
	[smem:$0x3FD2] =	sst s25  }
0xa6: {  	s4 =	sshll.u32 s26, $0x1;
	_ =	strace $0x8000004F;
	[dreg:$0x1] =	wrdreg $0xFFFFFFFF  }
0xa7: {  	s28 =	simm.s32 $_size_execute0_lowered;
	s2 =	sadd.s32 s2, s4;
	[dreg:$0x0] =	wrdreg $0x0  }
0xa8: {  	s4 =	sshll.u32 s28, $0x1;
	[dreg:$0x2] =	wrdreg s2  }
0xa9: {  	[dreg:$0x3] =	wrdreg s4  }
0xaa: {  	[dreg:$0x4] =	wrdreg $0xC0  }
0xab: {  	_ =	task [dreg:s6], $0x5FFFF  }
0xac: {  	[dreg:$0x1] =	wrdreg $0xFFFFFFFF  }
0xad: {  	[dreg:$0x0] =	wrdreg $0x60  }
0xae: {  	[dreg:$0x2] =	wrdreg s24  }
0xaf: {  	[dreg:$0x3] =	wrdreg $0x81000  }
0xb0: {  	[dreg:$0x4] =	wrdreg $0x9  }
0xb1: {  	_ =	task.clear_ibuf [dreg:s6], $0x5FFFF;
	_ =	strace $0x9000004F  }
0xb2: {  	s29 =	simm.s32 $0x9;
	_ =	strace $0x80000051  }
0xb3: {  	_ =	swait.ge [sflag:s29], $0x1  }
0xb4: {  	[sflag:s29] =	ssyncadd.s32 $0xFFFFFFFF  }
0xb5: {  	_ =	strace $0x90000051  }
0xb6: {  	_ =	sfence  }
0xb7: {  	s30 =	sld [smem:$0x0];
	_ =	sdelay $0x2  }
0xb8: {  	s31 =	sshll.u32 s1, $0xD;
	s1 =	sshrl.u32 s1, $0x2  }
0xb9: {  	s3 =	sand.u32 $0x4000, s31;
	s1 =	sadd.s32 s1, s30  }
0xba: {  	s0 =	sor.u32 s3, s0;
	s1 =	sshll.u32 s1, $0x11  }
0xbb: {  	s0 =	sor.u32 s1, s0  }
0xbc: {  	s0 =	sadd.s32 $0x8F2B, s0  }
0xbd: {  	[sflag:s0] =	ssyncadd.remote.s32 $0x1  }
0xbe: {  	_ =	sfence.sel $0xFFFF  }
0xbf: {  	[dreg:$0x0] =	wrdreg $0xFFFFFFFF;
	(pc) =	sbr.abs _section_cstart, $3  }
0xc0: {  	[dreg:$0x1] =	wrdreg $0xFFFFFFFF  }
0xc1: {  	_ =	task.clear_ibuf [dreg:s6], $0x2FFFF;
	_ =	strace $0x9FFFFFFF  }
0xc2: {  	(tm) =	ssettm $0x7FFFFFFF  }
0xc3: {  	_ =	shalt  }
tec
execute0_lowered:
.L_overlay_start_1:
0x0: {  	(tag) =	ssettag $0x1  }
0x1: {  	s5 =	rddreg [dreg:$0x0];
	s0 =	srdreg.scid  }
0x2: {  	s2 =	rddreg [dreg:$0x1];
	s1 =	stileid.u32;
	s3 =	simm.s32 $0x0  }
0x3: {  	s15 =	simm.s32 $0x1;
	s16 =	simm.s32 $0x80;
	s7 =	smul.u32 $0x14000, s1  }
0x4: {  	s17 =	simm.s32 $0x100;
	s20 =	simm.s32 $0x0;
	s9 =	smul.u32 $0x50000, s1  }
0x5: {  	s6 =	sand.u32 $0x1, s0;
	s0 =	rddreg [dreg:$0x2];
	s12 =	smul.u32 $0x4F0, s1  }
0x6: {  	[smem:$0x7FF] =	sst s3;
	s18 =	sshll.u32 s1, $0x6;
	s4 =	smul.u32 $0x140000, s6  }
0x7: {  	s8 =	smul.u32 $0x4F00, s6;
	_ =	strace $0x80000050;
	s6 =	ssub.s32 $0x2, s6  }
0x8: {  	s18 =	sor.u32 $0x1C01, s18;
	s30 =	sshrl.u32 s9, $0x2;
	s31 =	sshrl.u32 s6, $0x1  }
0x9: {  	s7 =	sadd.s32 s7, s4;
	s4 =	sadd.s32 $0x17000, s5;
	s10 =	sadd.s32 s8, s5  }
0xa: {  	s13 =	ssub.s32 s6, s31;
	s7 =	sshrl.u32 s7, $0x3;
	s14 =	sadd.s32 s12, s10  }
0xb: {  	s11 =	sadd.s32 s7, s5;
	s5 =	sadd.s32 s30, s2;
	s12 =	sadd.s32 $0x3400, s14  }
0xc: {  	s6 =	sadd.s32 $0x4000, s5;
	s7 =	sadd.s32 $0x8000, s5;
	s8 =	sadd.s32 $0xC000, s5  }
0xd: {  	s9 =	sadd.s32 $0x10000, s5;
	s10 =	sadd.s32 $0x67000, s11;
	s11 =	smax.u32 s13, $0x1  }
0xe: {  	v0 =	vimm.f32 $0.0e+00;
	s13 =	sadd.s32 $0xD200, s14;
	s14 =	simm.s32 $0x4100;
	s19 =	sshrl.u32 s5, $0x3  }
.LBB2_1:
0xf: {  	s21 =	sand.u32 $0xFE00, s3  }
0x10: {  	s22 =	sand.u32 $0x70, s3;
	s23 =	sshrl.u32 s21, $0x2  }
0x11: {  	s21 =	simm.s32 $0x40;
	s23 =	sor.u32 s22, s23;
	s22 =	simm.s32 $0x0  }
.LBB2_2:
0x12: {  	p0 =	sne.s32 s21, $0xFFC0  }
0x13: {  	[tilespmem:s23+$0x4100] =	vst v0;
	s22 =	sadd.s32 $0x10, s22;
	s23 =	smov.u32 s21;
	s21 =	sadd.s32 $0x40, s21  }
.Ltmp0:
0x14: {  	(pc) =	sbr.rel @p0 .LBB2_2-.Ltmp0, $4  }
0x15: {  	_ = 	snop  }
0x16: {  	s23 =	sand.u32 $0xFE00, s23  }
0x17: {  	s24 =	sand.u32 $0x70, s22;
	s23 =	sshrl.u32 s23, $0x2  }
0x18: {  	s23 =	sor.u32 s24, s23  }
0x19: {  	[tilespmem:s23+$0x4100] =	vst v0  }
0x1a: {  	[spmem:s5] =	stream.linear.scatter [tilespmem:s14], [sflag:$0x1], $0x4000, $0x38;
	[tilespmem:$0x1C100] =	vst v63  }
0x1b: {  	_ =	swait.ge [sflag:s15], $0x4000  }
0x1c: {  	[sflag:s15] =	ssyncset.done $0x0  }
0x1d: {  	[sflag:s15] =	ssyncadd.s32 $0xFFFFC000  }
0x1e: {  	[spmem:s6] =	stream.linear.scatter [tilespmem:s14], [sflag:$0x1], $0x4000, $0x38;
	[tilespmem:$0x1C100] =	vst v63  }
0x1f: {  	_ =	swait.ge [sflag:s15], $0x4000  }
0x20: {  	[sflag:s15] =	ssyncset.done $0x0  }
0x21: {  	[sflag:s15] =	ssyncadd.s32 $0xFFFFC000  }
0x22: {  	[spmem:s7] =	stream.linear.scatter [tilespmem:s14], [sflag:$0x1], $0x4000, $0x38;
	[tilespmem:$0x1C100] =	vst v63  }
0x23: {  	_ =	swait.ge [sflag:s15], $0x4000  }
0x24: {  	[sflag:s15] =	ssyncset.done $0x0  }
0x25: {  	[sflag:s15] =	ssyncadd.s32 $0xFFFFC000  }
0x26: {  	[spmem:s8] =	stream.linear.scatter [tilespmem:s14], [sflag:$0x1], $0x4000, $0x38;
	[tilespmem:$0x1C100] =	vst v63  }
0x27: {  	_ =	swait.ge [sflag:s15], $0x4000  }
0x28: {  	[sflag:s15] =	ssyncset.done $0x0  }
0x29: {  	[sflag:s15] =	ssyncadd.s32 $0xFFFFC000  }
0x2a: {  	[spmem:s9] =	stream.linear.scatter [tilespmem:s14], [sflag:$0x1], $0x4000, $0x38;
	[tilespmem:$0x1C100] =	vst v63  }
0x2b: {  	_ =	swait.ge [sflag:s15], $0x4000  }
0x2c: {  	[sflag:s15] =	ssyncset.done $0x0  }
0x2d: {  	[sflag:s15] =	ssyncadd.s32 $0xFFFFC000  }
0x2e: {  	s21 =	sadd.s32 $0x0, s13;
	[bflag:$0x0] =	sbarrier.arrive $0xFFFF  }
0x2f: {  	[tilespmem:s3], [sflag:$0x1] =	stream.linear.gather [hbm4b:s21+s3], $0x80, $0x38;
	[tilespmem:$0x1C100] =	vst v63  }
0x30: {  	_ =	swait.ge [sflag:s15], $0x80  }
0x31: {  	[sflag:s15] =	ssyncset.done $0x0  }
0x32: {  	s31 =	sadd.s32 $0x0, s12;
	[sflag:s15] =	ssyncadd.s32 $0xFFFFFF80  }
0x33: {  	[tilespmem:s16], [sflag:$0x1] =	stream.linear.gather [hbm4b:s31+s3], $0x80, $0x38;
	[tilespmem:$0x1C100] =	vst v63  }
0x34: {  	_ =	swait.ge [sflag:s15], $0x80  }
0x35: {  	[sflag:s15] =	ssyncset.done $0x0  }
0x36: {  	[sflag:s15] =	ssyncadd.s32 $0xFFFFFF80  }
0x37: {  	[tilespmem:s17], [sflag:$0x1] =	stream.indirect.gather [hbm4b:s4+s16], $0x80, s3, s16, $0xb8;
	[tilespmem:$0x1C100] =	vst v63  }
0x38: {  	_ =	swait.ge [sflag:s15], $0x4000  }
0x39: {  	[sflag:s15] =	ssyncset.done $0x0  }
0x3a: {  	[sflag:s15] =	ssyncadd.s32 $0xFFFFC000  }
0x3b: {  	[spmem:s2] =	stream.indirect.scatter.add.f32 [tilespmem:s17], [sflag:$0x1], $0x80, s16, s16, $0xb8;
	[tilespmem:$0x1C100] =	vst v63  }
0x3c: {  	_ =	swait.ge [sflag:s15], $0x4000  }
0x3d: {  	s22 =	simm.s32 $0x20;
	s21 =	simm.s32 $0x10;
	[sflag:s15] =	ssyncset.done $0x0  }
.LBB2_4:
0x3e: {  	s23 =	sadd.s32 s21, s13  }
0x3f: {  	[sflag:s15] =	ssyncadd.s32 $0xFFFFC000;
	s24 =	smov.u32 s22;
	s25 =	sadd.s32 $0x10, s22  }
0x40: {  	[tilespmem:s3], [sflag:$0x1] =	stream.linear.gather [hbm4b:s23+s3], $0x80, $0x38;
	[tilespmem:$0x1C100] =	vst v63  }
0x41: {  	p0 =	sne.s32 s22, $0x4E0;
	_ =	swait.ge [sflag:s15], $0x80  }
0x42: {  	[sflag:s15] =	ssyncset.done $0x0  }
0x43: {  	s22 =	sadd.s32 s21, s12;
	s21 =	smov.u32 s24;
	[sflag:s15] =	ssyncadd.s32 $0xFFFFFF80  }
0x44: {  	[tilespmem:s16], [sflag:$0x1] =	stream.linear.gather [hbm4b:s22+s3], $0x80, $0x38;
	[tilespmem:$0x1C100] =	vst v63  }
0x45: {  	_ =	swait.ge [sflag:s15], $0x80  }
0x46: {  	[sflag:s15] =	ssyncset.done $0x0  }
0x47: {  	[sflag:s15] =	ssyncadd.s32 $0xFFFFFF80  }
0x48: {  	[tilespmem:s17], [sflag:$0x1] =	stream.indirect.gather [hbm4b:s4+s16], $0x80, s3, s16, $0xb8;
	[tilespmem:$0x1C100] =	vst v63  }
0x49: {  	_ =	swait.ge [sflag:s15], $0x4000  }
.Ltmp1:
0x4a: {  	[sflag:s15] =	ssyncset.done $0x0;
	(pc) =	sbr.rel @p0 .LBB2_4-.Ltmp1, $4  }
0x4b: {  	[sflag:s15] =	ssyncadd.s32 $0xFFFFC000  }
0x4c: {  	[spmem:s2] =	stream.indirect.scatter.add.f32 [tilespmem:s17], [sflag:$0x1], $0x80, s16, s16, $0xb8;
	[tilespmem:$0x1C100] =	vst v63  }
0x4d: {  	_ =	swait.ge [sflag:s15], $0x4000  }
0x4e: {  	s22 =	smov.u32 s25;
	[sflag:s15] =	ssyncset.done $0x0  }
0x4f: {  	s22 =	sadd.s32 s21, s13;
	[sflag:s15] =	ssyncadd.s32 $0xFFFFC000  }
0x50: {  	[tilespmem:s3], [sflag:$0x1] =	stream.linear.gather [hbm4b:s22+s3], $0x80, $0x38;
	[tilespmem:$0x1C100] =	vst v63  }
0x51: {  	_ =	swait.ge [sflag:s15], $0x80  }
0x52: {  	[sflag:s15] =	ssyncset.done $0x0  }
0x53: {  	s31 =	sadd.s32 s21, s12;
	[sflag:s15] =	ssyncadd.s32 $0xFFFFFF80  }
0x54: {  	[tilespmem:s16], [sflag:$0x1] =	stream.linear.gather [hbm4b:s31+s3], $0x80, $0x38;
	[tilespmem:$0x1C100] =	vst v63  }
0x55: {  	_ =	swait.ge [sflag:s15], $0x80  }
0x56: {  	[sflag:s15] =	ssyncset.done $0x0  }
0x57: {  	[sflag:s15] =	ssyncadd.s32 $0xFFFFFF80  }
0x58: {  	[tilespmem:s17], [sflag:$0x1] =	stream.indirect.gather [hbm4b:s4+s16], $0x80, s3, s16, $0xb8;
	[tilespmem:$0x1C100] =	vst v63  }
0x59: {  	_ =	swait.ge [sflag:s15], $0x4000  }
0x5a: {  	[sflag:s15] =	ssyncset.done $0x0  }
0x5b: {  	[sflag:s15] =	ssyncadd.s32 $0xFFFFC000  }
0x5c: {  	[spmem:s2] =	stream.indirect.scatter.add.f32 [tilespmem:s17], [sflag:$0x1], $0x80, s16, s16, $0xb8;
	[tilespmem:$0x1C100] =	vst v63  }
0x5d: {  	_ =	swait.ge [sflag:s15], $0x4000  }
0x5e: {  	s20 =	sadd.s32 $0x1, s20;
	[sflag:s15] =	ssyncset.done $0x0  }
0x5f: {  	p0 =	sne.s32 s20, s11;
	[sflag:s15] =	ssyncadd.s32 $0xFFFFC000  }
.Ltmp2:
0x60: {  	[bflag:$0x0] =	sbarrier.arrive $0xFFFF;
	(pc) =	sbr.rel @p0 .LBB2_1-.Ltmp2, $4  }
0x61: {  	[hbm:s10], [sflag:s18] =	dma.local [spmem:s19], $0x2800  }
0x62: {  	_ =	swait.ge [sflag:s15], $0x2800  }
0x63: {  	[sflag:s15] =	ssyncset.done $0x0  }
0x64: {  	[sflag:s15] =	ssyncadd.s32 $0xFFFFD800  }
0x65: {  	_ =	sfence.sel $0x180000  }
0x66: {  	[bflag:$0x0] =	sbarrier.arrive $0xFFFF  }
0x67: {  	p0 =	sne.s32 s1, $0x0;
	_ =	strace $0x90000050  }
0x68: {  	s0 =	sadd.s32 @!p0 $0x100000, s0;
	[bflag:$0x2] =	sbarrier.arrive $0xFFFF  }
0x69: {  	[sflag:s0] =	ssyncadd.tile.s32 @!p0 $0x1;
	_ =	shalt  }
.Lfunc_end2:
_tile_overlayer_lowered:
.L_overlay_start_2:
0x6a: {  	(tag) =	ssettag $0x2  }
0x6b: {  	s0 =	rddreg [dreg:$0x0];
	s2 =	stileid.u32  }
0x6c: {  	s1 =	rddreg [dreg:$0x1];
	p0 =	sne.s32 s2, $0x0  }
0x6d: {  	s3 =	rddreg [dreg:$0x2];
	[bflag:$0x3] =	sbarrier.arrive $0xFFFF;
	s2 =	simm.s32 @!p0 $0x1C01  }
0x6e: {  	[timem:s3], [sflag:s2] =	dma.local @!p0 [hbm:s0], s1  }
0x6f: {  	s0 =	simm.s32 @!p0 $0x1  }
0x70: {  	_ =	swait.ge @!p0 [sflag:s0], s1  }
0x71: {  	s1 =	ssub.s32 @!p0 $0x0, s1;
	[sflag:s0] =	ssyncset.done @!p0 $0x0  }
0x72: {  	[sflag:s0] =	ssyncadd.s32 @!p0 s1  }
0x73: {  	[bflag:$0x3] =	sbarrier.arrive $0xFFFF  }
0x74: {  	_ =	shalt  }

</sc_bundles>
